<compile_context>
chip_gen: v7x
topology: tpu7x:2x2x1
jax: 0.10.2.dev20260603
libtpu: 0.0.44.dev20260713+nightly
codegen_flags: <defaults>
</compile_context>

<pallas_src>
import functools

import jax
import jax.numpy as jnp
from jax import lax
from jax.experimental import pallas as pl
from jax.experimental.pallas import tpu as pltpu
from jax.experimental.pallas import tpu_sc as plsc

COUNT_W = 2.0
SPATIAL_W = 0.15
SCALE_W = 0.5
EPS = 1e-06
L = 16


def _bsum(v):
    return jnp.full((L,), jnp.sum(v), jnp.float32)


def _make_sc_kernel(B, H, W, N):
    HW = H * W
    mesh = plsc.VectorSubcoreMesh(core_axis_name="c", subcore_axis_name="s", num_cores=1)

    @functools.partial(
        pl.kernel,
        mesh=mesh,
        out_type=jax.ShapeDtypeStruct((L,), jnp.float32),
        compiler_params=pltpu.CompilerParams(needs_layout_passes=False),
        scratch_types=[
            pltpu.VMEM((HW,), jnp.float32),
            pltpu.VMEM((HW,), jnp.float32),
            pltpu.VMEM((2 * N,), jnp.int32),
            pltpu.VMEM((N,), jnp.int32),
            pltpu.VMEM((L,), jnp.int32),
            pltpu.VMEM((L,), jnp.float32),
            pltpu.VMEM((B, L), jnp.float32),
            pltpu.VMEM((L,), jnp.float32),
            pltpu.HBM((B, L), jnp.float32),
            pltpu.SemaphoreType.DMA,
            pltpu.SemaphoreType.DMA,
            pltpu.SemaphoreType.DMA,
        ],
    )
    def sc_kernel(pred_hbm, pts_hbm, ds_hbm, out_hbm,
                  pred_v, hist_v, pts_v, bins_v, ds_v, row_v, m_v, out_v,
                  stage_hbm, sem_pred, sem_pts, sem_ds):
        c = lax.axis_index("c")
        s = lax.axis_index("s")
        lane = lax.iota(jnp.int32, L)
        gt_count = jnp.float32(N)

        @pl.when(c == 0)
        def _per_image():
            b = s
            pred_dma = pltpu.async_copy(pred_hbm.at[b], pred_v, sem_pred)
            pts_dma = pltpu.async_copy(pts_hbm.at[b], pts_v, sem_pts)
            ds_dma = pltpu.async_copy(ds_hbm, ds_v, sem_ds)
            pts_dma.wait()
            ds_dma.wait()
            ds = ds_v[...]
            dsr = 1.0 / ds.astype(jnp.float32)
            zeros = jnp.zeros((L,), jnp.float32)
            ones = jnp.ones((L,), jnp.float32)

            def fdiv(v):
                q = (v.astype(jnp.float32) * dsr).astype(jnp.int32)
                q = jnp.where(q * ds > v, q - 1, q)
                q = jnp.where((q + 1) * ds <= v, q + 1, q)
                return q

            @plsc.parallel_loop(0, N, step=L, unroll=4)
            def _bin_zero(i):
                x = pts_v[pl.ds(i, L)]
                y = pts_v[pl.ds(N + i, L)]
                fx = jnp.minimum(jnp.maximum(fdiv(x), 0), W - 1)
                fy = jnp.minimum(jnp.maximum(fdiv(y), 0), H - 1)
                bins = fy * W + fx
                bins_v[pl.ds(i, L)] = bins
                plsc.store_scatter(hist_v, [bins], zeros)

            @plsc.parallel_loop(0, N, step=L, unroll=4)
            def _scatter(i):
                bins = bins_v[pl.ds(i, L)]
                plsc.addupdate_scatter(hist_v, [bins], ones)

            pred_dma.wait()

            @plsc.parallel_loop(0, HW, step=L, unroll=8,
                                carry=(zeros, zeros))
            def dense_carry(i, carry):
                s1, s2 = carry
                p = pred_v[pl.ds(i, L)]
                return (s1 + p, s2 + p * p)

            s1, s2 = dense_carry
            sum_p = _bsum(s1)
            sum_p2 = _bsum(s2)

            @plsc.parallel_loop(0, N, step=L, unroll=4,
                                carry=(zeros, zeros))
            def gather_carry(i, carry):
                spg, sg2 = carry
                bins = bins_v[pl.ds(i, L)]
                spg = spg + plsc.load_gather(pred_v, [bins])
                sg2 = sg2 + plsc.load_gather(hist_v, [bins])
                return (spg, sg2)

            spg, sg2 = gather_carry
            sum_pg = _bsum(spg)
            sum_g2 = _bsum(sg2)

            a = 1.0 / (sum_p + EPS)
            d = 1.0 / (gt_count + EPS)
            abs_err = jnp.abs(sum_p - gt_count)
            e_img = a * a * sum_p2 - 2.0 * a * d * sum_pg + d * d * sum_g2

            row = jnp.where(lane == 0, abs_err,
                            jnp.where(lane == 1, e_img, 0.0))
            row_v[...] = row
            pltpu.sync_copy(row_v, stage_hbm.at[b])

        plsc.subcore_barrier()

        @pl.when((c == 0) & (s == 0))
        def _combine():
            pltpu.sync_copy(stage_hbm, m_v)
            tot = jnp.zeros((L,), jnp.float32)
            for i in range(B):
                tot = tot + m_v[i]
            sum_abs = _bsum(jnp.where(lane == 0, tot, 0.0))
            sum_e = _bsum(jnp.where(lane == 1, tot, 0.0))
            count_loss = sum_abs / B
            scale_loss = sum_abs / (B * (gt_count + EPS))
            spatial_loss = sum_e / (B * H * W)
            total = (COUNT_W * count_loss + SCALE_W * scale_loss
                     + SPATIAL_W * spatial_loss)
            outv = jnp.where(lane == 0, total,
                             jnp.where(lane == 1, count_loss,
                                       jnp.where(lane == 2, scale_loss,
                                                 jnp.where(lane == 3,
                                                           spatial_loss, 0.0))))
            out_v[...] = outv
            pltpu.sync_copy(out_v, out_hbm)

    return sc_kernel


def kernel(pred_density, points_list, downscale):
    B, _, H, W = pred_density.shape
    N = points_list.shape[1]
    pred2d = pred_density.reshape(B, H * W)
    pts2d = jnp.transpose(points_list, (0, 2, 1)).reshape(B, 2 * N)
    ds_vec = jnp.full((L,), downscale, jnp.int32)
    out = _make_sc_kernel(B, H, W, N)(pred2d, pts2d, ds_vec)
    return out[:4]

# --- scband reference (transcript-rebuilt; emitter-appended) ---
"""Pipeline reference for scband-p2-rregion-loss-58128087384436 (READ-ONLY COPY).

The authoritative reference and input builder live on the scoring server;
editing this copy changes nothing except your own understanding.
"""

import jax, jax.numpy as jnp
import numpy as np

COUNT_W = 2.0
SPATIAL_W = 0.15
SCALE_W = 0.5
EPS = 1e-06


def setup_inputs(seed: int = 0) -> dict:
    key = jax.random.key(seed)
    k1, k2 = jax.random.split(key)
    pred_density = jax.random.uniform(k1, (16, 1, 128, 128), dtype=jnp.float32)
    points_list = jax.random.randint(k2, (16, 2048, 2), 0, 2048, dtype=jnp.int32)
    return {"pred_density": pred_density, "points_list": points_list, "downscale": 16}


def reference(pred_density, points_list, downscale):
    B, _, H, W = pred_density.shape
    N = points_list.shape[1]
    gt_count = jnp.float32(N)

    # count loss: |sum(pred) - gt_count| per image, mean over batch
    pred_counts = jnp.sum(pred_density, axis=(1, 2, 3))  # [B]
    abs_err = jnp.abs(pred_counts - gt_count)
    count_loss = jnp.mean(abs_err)

    # scale loss: relative error (gt_count > 1 always here)
    scale_loss = jnp.mean(abs_err / (gt_count + EPS))

    # gt density via scatter-add (2D histogram of points into feature-map bins)
    fx = jnp.clip(points_list[:, :, 0] // downscale, 0, W - 1)  # [B, N]
    fy = jnp.clip(points_list[:, :, 1] // downscale, 0, H - 1)  # [B, N]
    b_idx = jnp.broadcast_to(jnp.arange(B)[:, None], fx.shape)
    gt_density = jnp.zeros((B, H, W), dtype=jnp.float32).at[b_idx, fy, fx].add(1.0)

    # spatial loss: MSE between normalized maps (per-image MSE then batch mean
    # equals global mean since all maps share shape)
    pred2 = pred_density[:, 0, :, :]
    pred_norm = pred2 / (pred_counts + EPS)[:, None, None]
    gt_sums = jnp.sum(gt_density, axis=(1, 2))
    gt_norm = gt_density / (gt_sums + EPS)[:, None, None]
    spatial_loss = jnp.mean((pred_norm - gt_norm) ** 2)

    total_loss = COUNT_W * count_loss + SCALE_W * scale_loss + SPATIAL_W * spatial_loss
    return jnp.stack([total_loss, count_loss, scale_loss, spatial_loss])

if __name__ == "__main__":
    import jax
    _d = setup_inputs()
    print(jax.jit(kernel)(*tuple(_d.values())))

</pallas_src>

<mosaic_0001>
#map = affine_map<(d0, d1) -> (0, 0)>
#map1 = affine_map<(d0, d1) -> (0)>
module attributes {stable_mosaic.version = 14 : i64} {
  func.func @sc_kernel(%arg0: i32, %arg1: i32, %arg2: memref<16x16384xf32, #tpu.memory_space<hbm>>, %arg3: memref<16x4096xi32, #tpu.memory_space<hbm>>, %arg4: memref<16xi32, #tpu.memory_space<hbm>>, %arg5: memref<16xf32, #tpu.memory_space<hbm>>, %arg6: memref<16384xf32, #tpu.memory_space<vmem>>, %arg7: memref<16384xf32, #tpu.memory_space<vmem>>, %arg8: memref<4096xi32, #tpu.memory_space<vmem>>, %arg9: memref<2048xi32, #tpu.memory_space<vmem>>, %arg10: memref<16xi32, #tpu.memory_space<vmem>>, %arg11: memref<16xf32, #tpu.memory_space<vmem>>, %arg12: memref<16x16xf32, #tpu.memory_space<vmem>>, %arg13: memref<16xf32, #tpu.memory_space<vmem>>, %arg14: memref<16x16xf32, #tpu.memory_space<hbm>>, %arg15: memref<!tpu.dma_semaphore, #tpu.memory_space<semaphore_mem>>, %arg16: memref<!tpu.dma_semaphore, #tpu.memory_space<semaphore_mem>>, %arg17: memref<!tpu.dma_semaphore, #tpu.memory_space<semaphore_mem>>) attributes {dimension_semantics = [#tpu.dimension_semantics<core_parallel>, #tpu.dimension_semantics<subcore_parallel>], iteration_bounds = array<i64: 1, 16>, scalar_prefetch = 0 : i64, scratch_operands = 12 : i64, tpu.core_type = #tpu.core_type<sc_vector_subcore>, window_params = [{transform_indices = #map}, {transform_indices = #map}, {transform_indices = #map1}, {transform_indices = #map1}]} {
    %iota3A = tpu.iota {dimensions = array<i32: 0>} : vector<16xi32>
    %eq3A = arith.constant 0 : i32
    %eq3A_0 = arith.cmpi eq, %arg0, %eq3A : i32
    %convert_element_type3A = arith.extui %eq3A_0 : i1 to i32
    %cond3A = arith.constant 2.048000e+03 : f32
    %cond3A_1 = arith.constant 0 : i32
    %cond3A_2 = arith.cmpi ne, %convert_element_type3A, %cond3A_1 : i32
    scf.if %cond3A_2 {
      %dma_start3A = arith.constant 0 : i32
      %dma_start3A_11 = tpu.memref_slice %arg2[%arg1, %dma_start3A] : memref<16x16384xf32, #tpu.memory_space<hbm>> -> memref<1x16384xf32, #tpu.memory_space<hbm>>
      %dma_start3A_12 = tpu.memref_squeeze %dma_start3A_11 : memref<1x16384xf32, #tpu.memory_space<hbm>> -> memref<16384xf32, #tpu.memory_space<hbm>>
      %dma_start3A_13 = arith.constant 0 : i32
      %dma_start3A_14 = tpu.memref_slice %arg2[%arg1, %dma_start3A_13] : memref<16x16384xf32, #tpu.memory_space<hbm>> -> memref<1x16384xf32, #tpu.memory_space<hbm>>
      %dma_start3A_15 = tpu.memref_squeeze %dma_start3A_14 : memref<1x16384xf32, #tpu.memory_space<hbm>> -> memref<16384xf32, #tpu.memory_space<hbm>>
      tpu.enqueue_dma source(%dma_start3A_15 : memref<16384xf32, #tpu.memory_space<hbm>>) target(%arg6 : memref<16384xf32, #tpu.memory_space<vmem>>) target_semaphore(%arg15 : memref<!tpu.dma_semaphore, #tpu.memory_space<semaphore_mem>>)
      %dma_start3A_16 = arith.constant 0 : i32
      %dma_start3A_17 = tpu.memref_slice %arg3[%arg1, %dma_start3A_16] : memref<16x4096xi32, #tpu.memory_space<hbm>> -> memref<1x4096xi32, #tpu.memory_space<hbm>>
      %dma_start3A_18 = tpu.memref_squeeze %dma_start3A_17 : memref<1x4096xi32, #tpu.memory_space<hbm>> -> memref<4096xi32, #tpu.memory_space<hbm>>
      %dma_start3A_19 = arith.constant 0 : i32
      %dma_start3A_20 = tpu.memref_slice %arg3[%arg1, %dma_start3A_19] : memref<16x4096xi32, #tpu.memory_space<hbm>> -> memref<1x4096xi32, #tpu.memory_space<hbm>>
      %dma_start3A_21 = tpu.memref_squeeze %dma_start3A_20 : memref<1x4096xi32, #tpu.memory_space<hbm>> -> memref<4096xi32, #tpu.memory_space<hbm>>
      tpu.enqueue_dma source(%dma_start3A_21 : memref<4096xi32, #tpu.memory_space<hbm>>) target(%arg8 : memref<4096xi32, #tpu.memory_space<vmem>>) target_semaphore(%arg16 : memref<!tpu.dma_semaphore, #tpu.memory_space<semaphore_mem>>)
      tpu.enqueue_dma source(%arg4 : memref<16xi32, #tpu.memory_space<hbm>>) target(%arg10 : memref<16xi32, #tpu.memory_space<vmem>>) target_semaphore(%arg17 : memref<!tpu.dma_semaphore, #tpu.memory_space<semaphore_mem>>)
      %dma_wait3A = arith.constant 0 : i32
      %dma_wait3A_22 = tpu.memref_slice %arg3[%arg1, %dma_wait3A] : memref<16x4096xi32, #tpu.memory_space<hbm>> -> memref<1x4096xi32, #tpu.memory_space<hbm>>
      %dma_wait3A_23 = tpu.memref_squeeze %dma_wait3A_22 : memref<1x4096xi32, #tpu.memory_space<hbm>> -> memref<4096xi32, #tpu.memory_space<hbm>>
      %dma_wait3A_24 = arith.constant 0 : i32
      %dma_wait3A_25 = tpu.memref_slice %arg3[%arg1, %dma_wait3A_24] : memref<16x4096xi32, #tpu.memory_space<hbm>> -> memref<1x4096xi32, #tpu.memory_space<hbm>>
      %dma_wait3A_26 = tpu.memref_squeeze %dma_wait3A_25 : memref<1x4096xi32, #tpu.memory_space<hbm>> -> memref<4096xi32, #tpu.memory_space<hbm>>
      tpu.wait_dma2 semaphore(%arg16 : memref<!tpu.dma_semaphore, #tpu.memory_space<semaphore_mem>>) src(%dma_wait3A_26 : memref<4096xi32, #tpu.memory_space<hbm>>) dst(%arg8 : memref<4096xi32, #tpu.memory_space<vmem>>)
      tpu.wait_dma2 semaphore(%arg17 : memref<!tpu.dma_semaphore, #tpu.memory_space<semaphore_mem>>) src(%arg4 : memref<16xi32, #tpu.memory_space<hbm>>) dst(%arg10 : memref<16xi32, #tpu.memory_space<vmem>>)
      %get3A = arith.constant 0 : index
      %get3A_27 = tpu.vector_load %arg10[%get3A] {strides = array<i32>} : memref<16xi32, #tpu.memory_space<vmem>>, vector<16xi32>,
      %convert_element_type3A_28 = arith.sitofp %get3A_27 : vector<16xi32> to vector<16xf32>
      %div3A = arith.constant 1.000000e+00 : f32
      %div3A_29 = vector.broadcast %div3A : f32 to vector<16xf32>
      %div3A_30 = arith.divf %div3A_29, %convert_element_type3A_28 : vector<16xf32>
      %broadcast_in_dim3A = arith.constant 0.000000e+00 : f32
      %broadcast_in_dim3A_31 = vector.broadcast %broadcast_in_dim3A : f32 to vector<16xf32>
      %broadcast_in_dim3A_32 = arith.constant 1.000000e+00 : f32
      %broadcast_in_dim3A_33 = vector.broadcast %broadcast_in_dim3A_32 : f32 to vector<16xf32>
      %parallel_loop3A = arith.constant 0 : i32
      %parallel_loop3A_34 = arith.constant 2048 : i32
      %parallel_loop3A_35 = arith.constant 16 : i32
      scf.for %parallel_loop3A_103 = %parallel_loop3A to %parallel_loop3A_34 step %parallel_loop3A_35  : i32 {
        %parallel_loop3A_104 = arith.index_cast %parallel_loop3A_103 : i32 to index
        %parallel_loop3A_105 = tpu.vector_load %arg8[%parallel_loop3A_104] {strides = array<i32>} : memref<4096xi32, #tpu.memory_space<vmem>>, vector<16xi32>,
        %parallel_loop3A_106 = arith.constant 2048 : i32
        %parallel_loop3A_107 = arith.addi %parallel_loop3A_106, %parallel_loop3A_103 : i32
        %parallel_loop3A_108 = arith.index_cast %parallel_loop3A_107 : i32 to index
        %parallel_loop3A_109 = tpu.vector_load %arg8[%parallel_loop3A_108] {strides = array<i32>} : memref<4096xi32, #tpu.memory_space<vmem>>, vector<16xi32>,
        %parallel_loop3A_110 = arith.sitofp %parallel_loop3A_105 : vector<16xi32> to vector<16xf32>
        %parallel_loop3A_111 = arith.mulf %parallel_loop3A_110, %div3A_30 : vector<16xf32>
        %parallel_loop3A_112 = arith.fptosi %parallel_loop3A_111 : vector<16xf32> to vector<16xi32>
        %parallel_loop3A_113 = arith.muli %parallel_loop3A_112, %get3A_27 : vector<16xi32>
        %parallel_loop3A_114 = arith.cmpi sgt, %parallel_loop3A_113, %parallel_loop3A_105 : vector<16xi32>
        %parallel_loop3A_115 = arith.constant 1 : i32
        %parallel_loop3A_116 = vector.broadcast %parallel_loop3A_115 : i32 to vector<16xi32>
        %parallel_loop3A_117 = arith.subi %parallel_loop3A_112, %parallel_loop3A_116 : vector<16xi32>
        %parallel_loop3A_118 = arith.select %parallel_loop3A_114, %parallel_loop3A_117, %parallel_loop3A_112 : vector<16xi1>, vector<16xi32>
        %parallel_loop3A_119 = arith.constant 1 : i32
        %parallel_loop3A_120 = vector.broadcast %parallel_loop3A_119 : i32 to vector<16xi32>
        %parallel_loop3A_121 = arith.addi %parallel_loop3A_118, %parallel_loop3A_120 : vector<16xi32>
        %parallel_loop3A_122 = arith.muli %parallel_loop3A_121, %get3A_27 : vector<16xi32>
        %parallel_loop3A_123 = arith.cmpi sle, %parallel_loop3A_122, %parallel_loop3A_105 : vector<16xi32>
        %parallel_loop3A_124 = arith.constant 1 : i32
        %parallel_loop3A_125 = vector.broadcast %parallel_loop3A_124 : i32 to vector<16xi32>
        %parallel_loop3A_126 = arith.addi %parallel_loop3A_118, %parallel_loop3A_125 : vector<16xi32>
        %parallel_loop3A_127 = arith.select %parallel_loop3A_123, %parallel_loop3A_126, %parallel_loop3A_118 : vector<16xi1>, vector<16xi32>
        %parallel_loop3A_128 = arith.constant 0 : i32
        %parallel_loop3A_129 = vector.broadcast %parallel_loop3A_128 : i32 to vector<16xi32>
        %parallel_loop3A_130 = arith.maxsi %parallel_loop3A_127, %parallel_loop3A_129 : vector<16xi32>
        %parallel_loop3A_131 = arith.constant 127 : i32
        %parallel_loop3A_132 = vector.broadcast %parallel_loop3A_131 : i32 to vector<16xi32>
        %parallel_loop3A_133 = arith.minsi %parallel_loop3A_130, %parallel_loop3A_132 : vector<16xi32>
        %parallel_loop3A_134 = arith.sitofp %parallel_loop3A_109 : vector<16xi32> to vector<16xf32>
        %parallel_loop3A_135 = arith.mulf %parallel_loop3A_134, %div3A_30 : vector<16xf32>
        %parallel_loop3A_136 = arith.fptosi %parallel_loop3A_135 : vector<16xf32> to vector<16xi32>
        %parallel_loop3A_137 = arith.muli %parallel_loop3A_136, %get3A_27 : vector<16xi32>
        %parallel_loop3A_138 = arith.cmpi sgt, %parallel_loop3A_137, %parallel_loop3A_109 : vector<16xi32>
        %parallel_loop3A_139 = arith.constant 1 : i32
        %parallel_loop3A_140 = vector.broadcast %parallel_loop3A_139 : i32 to vector<16xi32>
        %parallel_loop3A_141 = arith.subi %parallel_loop3A_136, %parallel_loop3A_140 : vector<16xi32>
        %parallel_loop3A_142 = arith.select %parallel_loop3A_138, %parallel_loop3A_141, %parallel_loop3A_136 : vector<16xi1>, vector<16xi32>
        %parallel_loop3A_143 = arith.constant 1 : i32
        %parallel_loop3A_144 = vector.broadcast %parallel_loop3A_143 : i32 to vector<16xi32>
        %parallel_loop3A_145 = arith.addi %parallel_loop3A_142, %parallel_loop3A_144 : vector<16xi32>
        %parallel_loop3A_146 = arith.muli %parallel_loop3A_145, %get3A_27 : vector<16xi32>
        %parallel_loop3A_147 = arith.cmpi sle, %parallel_loop3A_146, %parallel_loop3A_109 : vector<16xi32>
        %parallel_loop3A_148 = arith.constant 1 : i32
        %parallel_loop3A_149 = vector.broadcast %parallel_loop3A_148 : i32 to vector<16xi32>
        %parallel_loop3A_150 = arith.addi %parallel_loop3A_142, %parallel_loop3A_149 : vector<16xi32>
        %parallel_loop3A_151 = arith.select %parallel_loop3A_147, %parallel_loop3A_150, %parallel_loop3A_142 : vector<16xi1>, vector<16xi32>
        %parallel_loop3A_152 = arith.constant 0 : i32
        %parallel_loop3A_153 = vector.broadcast %parallel_loop3A_152 : i32 to vector<16xi32>
        %parallel_loop3A_154 = arith.maxsi %parallel_loop3A_151, %parallel_loop3A_153 : vector<16xi32>
        %parallel_loop3A_155 = arith.constant 127 : i32
        %parallel_loop3A_156 = vector.broadcast %parallel_loop3A_155 : i32 to vector<16xi32>
        %parallel_loop3A_157 = arith.minsi %parallel_loop3A_154, %parallel_loop3A_156 : vector<16xi32>
        %parallel_loop3A_158 = arith.constant 128 : i32
        %parallel_loop3A_159 = vector.broadcast %parallel_loop3A_158 : i32 to vector<16xi32>
        %parallel_loop3A_160 = arith.muli %parallel_loop3A_157, %parallel_loop3A_159 : vector<16xi32>
        %parallel_loop3A_161 = arith.addi %parallel_loop3A_160, %parallel_loop3A_133 : vector<16xi32>
        %parallel_loop3A_162 = arith.index_cast %parallel_loop3A_103 : i32 to index
        %parallel_loop3A_163 = tpu.vector_load %arg9[%parallel_loop3A_162] {strides = array<i32>} : memref<2048xi32, #tpu.memory_space<vmem>>, vector<16xi32>,
        tpu.vector_store %arg9[%parallel_loop3A_162], %parallel_loop3A_161 {strides = array<i32>} : memref<2048xi32, #tpu.memory_space<vmem>>, vector<16xi32>,
        tpu.vector_store_idx %arg7[%parallel_loop3A_161], %broadcast_in_dim3A_31 : memref<16384xf32, #tpu.memory_space<vmem>>[vector<16xi32>], vector<16xf32>,
      } {sc.loop_unroll_factor = 4 : i64, sc.parallel_access}
      %parallel_loop3A_36 = arith.constant 0 : i32
      %parallel_loop3A_37 = arith.constant 2048 : i32
      %parallel_loop3A_38 = arith.constant 16 : i32
      scf.for %parallel_loop3A_103 = %parallel_loop3A_36 to %parallel_loop3A_37 step %parallel_loop3A_38  : i32 {
        %parallel_loop3A_104 = arith.index_cast %parallel_loop3A_103 : i32 to index
        %parallel_loop3A_105 = tpu.vector_load %arg9[%parallel_loop3A_104] {strides = array<i32>} : memref<2048xi32, #tpu.memory_space<vmem>>, vector<16xi32>,
        tpu.vector_store_idx %arg7[%parallel_loop3A_105], %broadcast_in_dim3A_33 {add = true} : memref<16384xf32, #tpu.memory_space<vmem>>[vector<16xi32>], vector<16xf32>,
      } {sc.loop_unroll_factor = 4 : i64, sc.parallel_access}
      %dma_wait3A_39 = arith.constant 0 : i32
      %dma_wait3A_40 = tpu.memref_slice %arg2[%arg1, %dma_wait3A_39] : memref<16x16384xf32, #tpu.memory_space<hbm>> -> memref<1x16384xf32, #tpu.memory_space<hbm>>
      %dma_wait3A_41 = tpu.memref_squeeze %dma_wait3A_40 : memref<1x16384xf32, #tpu.memory_space<hbm>> -> memref<16384xf32, #tpu.memory_space<hbm>>
      %dma_wait3A_42 = arith.constant 0 : i32
      %dma_wait3A_43 = tpu.memref_slice %arg2[%arg1, %dma_wait3A_42] : memref<16x16384xf32, #tpu.memory_space<hbm>> -> memref<1x16384xf32, #tpu.memory_space<hbm>>
      %dma_wait3A_44 = tpu.memref_squeeze %dma_wait3A_43 : memref<1x16384xf32, #tpu.memory_space<hbm>> -> memref<16384xf32, #tpu.memory_space<hbm>>
      tpu.wait_dma2 semaphore(%arg15 : memref<!tpu.dma_semaphore, #tpu.memory_space<semaphore_mem>>) src(%dma_wait3A_44 : memref<16384xf32, #tpu.memory_space<hbm>>) dst(%arg6 : memref<16384xf32, #tpu.memory_space<vmem>>)
      %parallel_loop3A_45 = arith.constant 0 : i32
      %parallel_loop3A_46 = arith.constant 16384 : i32
      %parallel_loop3A_47 = arith.constant 16 : i32
      %parallel_loop3A_48:2 = scf.for %parallel_loop3A_103 = %parallel_loop3A_45 to %parallel_loop3A_46 step %parallel_loop3A_47 iter_args(%parallel_loop3A_104 = %broadcast_in_dim3A_31, %parallel_loop3A_105 = %broadcast_in_dim3A_31) -> (vector<16xf32>, vector<16xf32>)  : i32 {
        %parallel_loop3A_106 = arith.index_cast %parallel_loop3A_103 : i32 to index
        %parallel_loop3A_107 = tpu.vector_load %arg6[%parallel_loop3A_106] {strides = array<i32>} : memref<16384xf32, #tpu.memory_space<vmem>>, vector<16xf32>,
        %parallel_loop3A_108 = arith.addf %parallel_loop3A_104, %parallel_loop3A_107 : vector<16xf32>
        %parallel_loop3A_109 = arith.mulf %parallel_loop3A_107, %parallel_loop3A_107 : vector<16xf32>
        %parallel_loop3A_110 = arith.addf %parallel_loop3A_105, %parallel_loop3A_109 : vector<16xf32>
        scf.yield %parallel_loop3A_108, %parallel_loop3A_110 : vector<16xf32>, vector<16xf32>
      } {sc.loop_unroll_factor = 8 : i64, sc.parallel_access}
      %reduce_sum3A = arith.constant true
      %reduce_sum3A_49 = vector.broadcast %reduce_sum3A : i1 to vector<16xi1>
      %reduce_sum3A_50 = tpu.scan <sum>, %parallel_loop3A_48#0 masked %reduce_sum3A_49 : vector<16xf32>, vector<16xi1> -> vector<16xf32>
      %reduce_sum3A_51 = vector.extract %reduce_sum3A_50[15] : f32 from vector<16xf32>
      %broadcast_in_dim3A_52 = vector.broadcast %reduce_sum3A_51 : f32 to vector<16xf32>
      %reduce_sum3A_53 = arith.constant true
      %reduce_sum3A_54 = vector.broadcast %reduce_sum3A_53 : i1 to vector<16xi1>
      %reduce_sum3A_55 = tpu.scan <sum>, %parallel_loop3A_48#1 masked %reduce_sum3A_54 : vector<16xf32>, vector<16xi1> -> vector<16xf32>
      %reduce_sum3A_56 = vector.extract %reduce_sum3A_55[15] : f32 from vector<16xf32>
      %broadcast_in_dim3A_57 = vector.broadcast %reduce_sum3A_56 : f32 to vector<16xf32>
      %parallel_loop3A_58 = arith.constant 0 : i32
      %parallel_loop3A_59 = arith.constant 2048 : i32
      %parallel_loop3A_60 = arith.constant 16 : i32
      %parallel_loop3A_61:2 = scf.for %parallel_loop3A_103 = %parallel_loop3A_58 to %parallel_loop3A_59 step %parallel_loop3A_60 iter_args(%parallel_loop3A_104 = %broadcast_in_dim3A_31, %parallel_loop3A_105 = %broadcast_in_dim3A_31) -> (vector<16xf32>, vector<16xf32>)  : i32 {
        %parallel_loop3A_106 = arith.index_cast %parallel_loop3A_103 : i32 to index
        %parallel_loop3A_107 = tpu.vector_load %arg9[%parallel_loop3A_106] {strides = array<i32>} : memref<2048xi32, #tpu.memory_space<vmem>>, vector<16xi32>,
        %parallel_loop3A_108 = tpu.vector_load_idx %arg6[%parallel_loop3A_107] : memref<16384xf32, #tpu.memory_space<vmem>>[vector<16xi32>], vector<16xf32>,
        %parallel_loop3A_109 = arith.addf %parallel_loop3A_104, %parallel_loop3A_108 : vector<16xf32>
        %parallel_loop3A_110 = tpu.vector_load_idx %arg7[%parallel_loop3A_107] : memref<16384xf32, #tpu.memory_space<vmem>>[vector<16xi32>], vector<16xf32>,
        %parallel_loop3A_111 = arith.addf %parallel_loop3A_105, %parallel_loop3A_110 : vector<16xf32>
        scf.yield %parallel_loop3A_109, %parallel_loop3A_111 : vector<16xf32>, vector<16xf32>
      } {sc.loop_unroll_factor = 4 : i64, sc.parallel_access}
      %reduce_sum3A_62 = arith.constant true
      %reduce_sum3A_63 = vector.broadcast %reduce_sum3A_62 : i1 to vector<16xi1>
      %reduce_sum3A_64 = tpu.scan <sum>, %parallel_loop3A_61#0 masked %reduce_sum3A_63 : vector<16xf32>, vector<16xi1> -> vector<16xf32>
      %reduce_sum3A_65 = vector.extract %reduce_sum3A_64[15] : f32 from vector<16xf32>
      %broadcast_in_dim3A_66 = vector.broadcast %reduce_sum3A_65 : f32 to vector<16xf32>
      %reduce_sum3A_67 = arith.constant true
      %reduce_sum3A_68 = vector.broadcast %reduce_sum3A_67 : i1 to vector<16xi1>
      %reduce_sum3A_69 = tpu.scan <sum>, %parallel_loop3A_61#1 masked %reduce_sum3A_68 : vector<16xf32>, vector<16xi1> -> vector<16xf32>
      %reduce_sum3A_70 = vector.extract %reduce_sum3A_69[15] : f32 from vector<16xf32>
      %broadcast_in_dim3A_71 = vector.broadcast %reduce_sum3A_70 : f32 to vector<16xf32>
      %add3A = arith.constant 9.99999997E-7 : f32
      %add3A_72 = vector.broadcast %add3A : f32 to vector<16xf32>
      %add3A_73 = arith.addf %broadcast_in_dim3A_52, %add3A_72 : vector<16xf32>
      %div3A_74 = arith.constant 1.000000e+00 : f32
      %div3A_75 = vector.broadcast %div3A_74 : f32 to vector<16xf32>
      %div3A_76 = arith.divf %div3A_75, %add3A_73 : vector<16xf32>
      %add3A_77 = arith.constant 9.99999997E-7 : f32
      %add3A_78 = arith.addf %cond3A, %add3A_77 : f32
      %div3A_79 = arith.constant 1.000000e+00 : f32
      %div3A_80 = arith.divf %div3A_79, %add3A_78 : f32
      %sub3A = vector.broadcast %cond3A : f32 to vector<16xf32>
      %sub3A_81 = arith.subf %broadcast_in_dim3A_52, %sub3A : vector<16xf32>
      %abs3A = math.absf %sub3A_81 : vector<16xf32>
      %mul3A = arith.mulf %div3A_76, %div3A_76 : vector<16xf32>
      %mul3A_82 = arith.mulf %mul3A, %broadcast_in_dim3A_57 : vector<16xf32>
      %mul3A_83 = arith.constant 2.000000e+00 : f32
      %mul3A_84 = vector.broadcast %mul3A_83 : f32 to vector<16xf32>
      %mul3A_85 = arith.mulf %mul3A_84, %div3A_76 : vector<16xf32>
      %mul3A_86 = vector.broadcast %div3A_80 : f32 to vector<16xf32>
      %mul3A_87 = arith.mulf %mul3A_85, %mul3A_86 : vector<16xf32>
      %mul3A_88 = arith.mulf %mul3A_87, %broadcast_in_dim3A_66 : vector<16xf32>
      %sub3A_89 = arith.subf %mul3A_82, %mul3A_88 : vector<16xf32>
      %mul3A_90 = arith.mulf %div3A_80, %div3A_80 : f32
      %mul3A_91 = vector.broadcast %mul3A_90 : f32 to vector<16xf32>
      %mul3A_92 = arith.mulf %mul3A_91, %broadcast_in_dim3A_71 : vector<16xf32>
      %add3A_93 = arith.addf %sub3A_89, %mul3A_92 : vector<16xf32>
      %eq3A_94 = arith.constant 0 : i32
      %eq3A_95 = vector.broadcast %eq3A_94 : i32 to vector<16xi32>
      %eq3A_96 = arith.cmpi eq, %iota3A, %eq3A_95 : vector<16xi32>
      %eq3A_97 = arith.constant 1 : i32
      %eq3A_98 = vector.broadcast %eq3A_97 : i32 to vector<16xi32>
      %eq3A_99 = arith.cmpi eq, %iota3A, %eq3A_98 : vector<16xi32>
      %jit3A = arith.constant 0.000000e+00 : f32
      %broadcast_in_dim3A_100 = vector.broadcast %jit3A : f32 to vector<16xf32>
      %select_n3A = arith.select %eq3A_99, %add3A_93, %broadcast_in_dim3A_100 : vector<16xi1>, vector<16xf32>
      %select_n3A_101 = arith.select %eq3A_96, %abs3A, %select_n3A : vector<16xi1>, vector<16xf32>
      %swap3A = arith.constant 0 : index
      %swap3A_102 = tpu.vector_load %arg11[%swap3A] {strides = array<i32>} : memref<16xf32, #tpu.memory_space<vmem>>, vector<16xf32>,
      tpu.vector_store %arg11[%swap3A], %select_n3A_101 {strides = array<i32>} : memref<16xf32, #tpu.memory_space<vmem>>, vector<16xf32>,
      "tpu.region"() ({
        %run_scoped3A = tpu.sem_alloc : memref<!tpu.dma_semaphore, #tpu.memory_space<semaphore_mem>>
        %dma_start3A_103 = arith.constant 0 : i32
        %dma_start3A_104 = tpu.memref_slice %arg14[%arg1, %dma_start3A_103] : memref<16x16xf32, #tpu.memory_space<hbm>> -> memref<1x16xf32, #tpu.memory_space<hbm>>
        %dma_start3A_105 = tpu.memref_squeeze %dma_start3A_104 : memref<1x16xf32, #tpu.memory_space<hbm>> -> memref<16xf32, #tpu.memory_space<hbm>>
        %dma_start3A_106 = arith.constant 0 : i32
        %dma_start3A_107 = tpu.memref_slice %arg14[%arg1, %dma_start3A_106] : memref<16x16xf32, #tpu.memory_space<hbm>> -> memref<1x16xf32, #tpu.memory_space<hbm>>
        %dma_start3A_108 = tpu.memref_squeeze %dma_start3A_107 : memref<1x16xf32, #tpu.memory_space<hbm>> -> memref<16xf32, #tpu.memory_space<hbm>>
        tpu.enqueue_dma source(%arg11 : memref<16xf32, #tpu.memory_space<vmem>>) target(%dma_start3A_108 : memref<16xf32, #tpu.memory_space<hbm>>) target_semaphore(%run_scoped3A : memref<!tpu.dma_semaphore, #tpu.memory_space<semaphore_mem>>)
        %dma_wait3A_109 = arith.constant 0 : i32
        %dma_wait3A_110 = tpu.memref_slice %arg14[%arg1, %dma_wait3A_109] : memref<16x16xf32, #tpu.memory_space<hbm>> -> memref<1x16xf32, #tpu.memory_space<hbm>>
        %dma_wait3A_111 = tpu.memref_squeeze %dma_wait3A_110 : memref<1x16xf32, #tpu.memory_space<hbm>> -> memref<16xf32, #tpu.memory_space<hbm>>
        %dma_wait3A_112 = arith.constant 0 : i32
        %dma_wait3A_113 = tpu.memref_slice %arg14[%arg1, %dma_wait3A_112] : memref<16x16xf32, #tpu.memory_space<hbm>> -> memref<1x16xf32, #tpu.memory_space<hbm>>
        %dma_wait3A_114 = tpu.memref_squeeze %dma_wait3A_113 : memref<1x16xf32, #tpu.memory_space<hbm>> -> memref<16xf32, #tpu.memory_space<hbm>>
        tpu.wait_dma2 semaphore(%run_scoped3A : memref<!tpu.dma_semaphore, #tpu.memory_space<semaphore_mem>>) src(%arg11 : memref<16xf32, #tpu.memory_space<vmem>>) dst(%dma_wait3A_114 : memref<16xf32, #tpu.memory_space<hbm>>)
        tpu.yield
      }) : () -> ()
    } else {
    }
    %barrier3A = arith.constant 0 : index
    tpu.barrier barrier_id(%barrier3A)
    %eq3A_3 = arith.constant 0 : i32
    %eq3A_4 = arith.cmpi eq, %arg0, %eq3A_3 : i32
    %eq3A_5 = arith.constant 0 : i32
    %eq3A_6 = arith.cmpi eq, %arg1, %eq3A_5 : i32
    %and3A = arith.andi %eq3A_4, %eq3A_6 : i1
    %convert_element_type3A_7 = arith.extui %and3A : i1 to i32
    %cond3A_8 = arith.constant 2.048000e+03 : f32
    %cond3A_9 = arith.constant 0 : i32
    %cond3A_10 = arith.cmpi ne, %convert_element_type3A_7, %cond3A_9 : i32
    scf.if %cond3A_10 {
      "tpu.region"() ({
        %run_scoped3A = tpu.sem_alloc : memref<!tpu.dma_semaphore, #tpu.memory_space<semaphore_mem>>
        tpu.enqueue_dma source(%arg14 : memref<16x16xf32, #tpu.memory_space<hbm>>) target(%arg12 : memref<16x16xf32, #tpu.memory_space<vmem>>) target_semaphore(%run_scoped3A : memref<!tpu.dma_semaphore, #tpu.memory_space<semaphore_mem>>)
        tpu.wait_dma2 semaphore(%run_scoped3A : memref<!tpu.dma_semaphore, #tpu.memory_space<semaphore_mem>>) src(%arg14 : memref<16x16xf32, #tpu.memory_space<hbm>>) dst(%arg12 : memref<16x16xf32, #tpu.memory_space<vmem>>)
        tpu.yield
      }) : () -> ()
      %broadcast_in_dim3A = arith.constant 0.000000e+00 : f32
      %broadcast_in_dim3A_11 = vector.broadcast %broadcast_in_dim3A : f32 to vector<16xf32>
      %get3A = arith.constant 0 : i32
      %get3A_12 = arith.index_cast %get3A : i32 to index
      %get3A_13 = arith.constant 0 : index
      %get3A_14 = tpu.vector_load %arg12[%get3A_12, %get3A_13] {strides = array<i32>} : memref<16x16xf32, #tpu.memory_space<vmem>>, vector<16xf32>,
      %add3A = arith.addf %broadcast_in_dim3A_11, %get3A_14 : vector<16xf32>
      %get3A_15 = arith.constant 1 : i32
      %get3A_16 = arith.index_cast %get3A_15 : i32 to index
      %get3A_17 = arith.constant 0 : index
      %get3A_18 = tpu.vector_load %arg12[%get3A_16, %get3A_17] {strides = array<i32>} : memref<16x16xf32, #tpu.memory_space<vmem>>, vector<16xf32>,
      %add3A_19 = arith.addf %add3A, %get3A_18 : vector<16xf32>
      %get3A_20 = arith.constant 2 : i32
      %get3A_21 = arith.index_cast %get3A_20 : i32 to index
      %get3A_22 = arith.constant 0 : index
      %get3A_23 = tpu.vector_load %arg12[%get3A_21, %get3A_22] {strides = array<i32>} : memref<16x16xf32, #tpu.memory_space<vmem>>, vector<16xf32>,
      %add3A_24 = arith.addf %add3A_19, %get3A_23 : vector<16xf32>
      %get3A_25 = arith.constant 3 : i32
      %get3A_26 = arith.index_cast %get3A_25 : i32 to index
      %get3A_27 = arith.constant 0 : index
      %get3A_28 = tpu.vector_load %arg12[%get3A_26, %get3A_27] {strides = array<i32>} : memref<16x16xf32, #tpu.memory_space<vmem>>, vector<16xf32>,
      %add3A_29 = arith.addf %add3A_24, %get3A_28 : vector<16xf32>
      %get3A_30 = arith.constant 4 : i32
      %get3A_31 = arith.index_cast %get3A_30 : i32 to index
      %get3A_32 = arith.constant 0 : index
      %get3A_33 = tpu.vector_load %arg12[%get3A_31, %get3A_32] {strides = array<i32>} : memref<16x16xf32, #tpu.memory_space<vmem>>, vector<16xf32>,
      %add3A_34 = arith.addf %add3A_29, %get3A_33 : vector<16xf32>
      %get3A_35 = arith.constant 5 : i32
      %get3A_36 = arith.index_cast %get3A_35 : i32 to index
      %get3A_37 = arith.constant 0 : index
      %get3A_38 = tpu.vector_load %arg12[%get3A_36, %get3A_37] {strides = array<i32>} : memref<16x16xf32, #tpu.memory_space<vmem>>, vector<16xf32>,
      %add3A_39 = arith.addf %add3A_34, %get3A_38 : vector<16xf32>
      %get3A_40 = arith.constant 6 : i32
      %get3A_41 = arith.index_cast %get3A_40 : i32 to index
      %get3A_42 = arith.constant 0 : index
      %get3A_43 = tpu.vector_load %arg12[%get3A_41, %get3A_42] {strides = array<i32>} : memref<16x16xf32, #tpu.memory_space<vmem>>, vector<16xf32>,
      %add3A_44 = arith.addf %add3A_39, %get3A_43 : vector<16xf32>
      %get3A_45 = arith.constant 7 : i32
      %get3A_46 = arith.index_cast %get3A_45 : i32 to index
      %get3A_47 = arith.constant 0 : index
      %get3A_48 = tpu.vector_load %arg12[%get3A_46, %get3A_47] {strides = array<i32>} : memref<16x16xf32, #tpu.memory_space<vmem>>, vector<16xf32>,
      %add3A_49 = arith.addf %add3A_44, %get3A_48 : vector<16xf32>
      %get3A_50 = arith.constant 8 : i32
      %get3A_51 = arith.index_cast %get3A_50 : i32 to index
      %get3A_52 = arith.constant 0 : index
      %get3A_53 = tpu.vector_load %arg12[%get3A_51, %get3A_52] {strides = array<i32>} : memref<16x16xf32, #tpu.memory_space<vmem>>, vector<16xf32>,
      %add3A_54 = arith.addf %add3A_49, %get3A_53 : vector<16xf32>
      %get3A_55 = arith.constant 9 : i32
      %get3A_56 = arith.index_cast %get3A_55 : i32 to index
      %get3A_57 = arith.constant 0 : index
      %get3A_58 = tpu.vector_load %arg12[%get3A_56, %get3A_57] {strides = array<i32>} : memref<16x16xf32, #tpu.memory_space<vmem>>, vector<16xf32>,
      %add3A_59 = arith.addf %add3A_54, %get3A_58 : vector<16xf32>
      %get3A_60 = arith.constant 10 : i32
      %get3A_61 = arith.index_cast %get3A_60 : i32 to index
      %get3A_62 = arith.constant 0 : index
      %get3A_63 = tpu.vector_load %arg12[%get3A_61, %get3A_62] {strides = array<i32>} : memref<16x16xf32, #tpu.memory_space<vmem>>, vector<16xf32>,
      %add3A_64 = arith.addf %add3A_59, %get3A_63 : vector<16xf32>
      %get3A_65 = arith.constant 11 : i32
      %get3A_66 = arith.index_cast %get3A_65 : i32 to index
      %get3A_67 = arith.constant 0 : index
      %get3A_68 = tpu.vector_load %arg12[%get3A_66, %get3A_67] {strides = array<i32>} : memref<16x16xf32, #tpu.memory_space<vmem>>, vector<16xf32>,
      %add3A_69 = arith.addf %add3A_64, %get3A_68 : vector<16xf32>
      %get3A_70 = arith.constant 12 : i32
      %get3A_71 = arith.index_cast %get3A_70 : i32 to index
      %get3A_72 = arith.constant 0 : index
      %get3A_73 = tpu.vector_load %arg12[%get3A_71, %get3A_72] {strides = array<i32>} : memref<16x16xf32, #tpu.memory_space<vmem>>, vector<16xf32>,
      %add3A_74 = arith.addf %add3A_69, %get3A_73 : vector<16xf32>
      %get3A_75 = arith.constant 13 : i32
      %get3A_76 = arith.index_cast %get3A_75 : i32 to index
      %get3A_77 = arith.constant 0 : index
      %get3A_78 = tpu.vector_load %arg12[%get3A_76, %get3A_77] {strides = array<i32>} : memref<16x16xf32, #tpu.memory_space<vmem>>, vector<16xf32>,
      %add3A_79 = arith.addf %add3A_74, %get3A_78 : vector<16xf32>
      %get3A_80 = arith.constant 14 : i32
      %get3A_81 = arith.index_cast %get3A_80 : i32 to index
      %get3A_82 = arith.constant 0 : index
      %get3A_83 = tpu.vector_load %arg12[%get3A_81, %get3A_82] {strides = array<i32>} : memref<16x16xf32, #tpu.memory_space<vmem>>, vector<16xf32>,
      %add3A_84 = arith.addf %add3A_79, %get3A_83 : vector<16xf32>
      %get3A_85 = arith.constant 15 : i32
      %get3A_86 = arith.index_cast %get3A_85 : i32 to index
      %get3A_87 = arith.constant 0 : index
      %get3A_88 = tpu.vector_load %arg12[%get3A_86, %get3A_87] {strides = array<i32>} : memref<16x16xf32, #tpu.memory_space<vmem>>, vector<16xf32>,
      %add3A_89 = arith.addf %add3A_84, %get3A_88 : vector<16xf32>
      %eq3A_90 = arith.constant 0 : i32
      %eq3A_91 = vector.broadcast %eq3A_90 : i32 to vector<16xi32>
      %eq3A_92 = arith.cmpi eq, %iota3A, %eq3A_91 : vector<16xi32>
      %jit3A = arith.constant 0.000000e+00 : f32
      %broadcast_in_dim3A_93 = vector.broadcast %jit3A : f32 to vector<16xf32>
      %select_n3A = arith.select %eq3A_92, %add3A_89, %broadcast_in_dim3A_93 : vector<16xi1>, vector<16xf32>
      %reduce_sum3A = arith.constant true
      %reduce_sum3A_94 = vector.broadcast %reduce_sum3A : i1 to vector<16xi1>
      %reduce_sum3A_95 = tpu.scan <sum>, %select_n3A masked %reduce_sum3A_94 : vector<16xf32>, vector<16xi1> -> vector<16xf32>
      %reduce_sum3A_96 = vector.extract %reduce_sum3A_95[15] : f32 from vector<16xf32>
      %broadcast_in_dim3A_97 = vector.broadcast %reduce_sum3A_96 : f32 to vector<16xf32>
      %eq3A_98 = arith.constant 1 : i32
      %eq3A_99 = vector.broadcast %eq3A_98 : i32 to vector<16xi32>
      %eq3A_100 = arith.cmpi eq, %iota3A, %eq3A_99 : vector<16xi32>
      %jit3A_101 = arith.constant 0.000000e+00 : f32
      %broadcast_in_dim3A_102 = vector.broadcast %jit3A_101 : f32 to vector<16xf32>
      %select_n3A_103 = arith.select %eq3A_100, %add3A_89, %broadcast_in_dim3A_102 : vector<16xi1>, vector<16xf32>
      %reduce_sum3A_104 = arith.constant true
      %reduce_sum3A_105 = vector.broadcast %reduce_sum3A_104 : i1 to vector<16xi1>
      %reduce_sum3A_106 = tpu.scan <sum>, %select_n3A_103 masked %reduce_sum3A_105 : vector<16xf32>, vector<16xi1> -> vector<16xf32>
      %reduce_sum3A_107 = vector.extract %reduce_sum3A_106[15] : f32 from vector<16xf32>
      %broadcast_in_dim3A_108 = vector.broadcast %reduce_sum3A_107 : f32 to vector<16xf32>
      %div3A = arith.constant 1.600000e+01 : f32
      %div3A_109 = vector.broadcast %div3A : f32 to vector<16xf32>
      %div3A_110 = arith.divf %broadcast_in_dim3A_97, %div3A_109 : vector<16xf32>
      %add3A_111 = arith.constant 9.99999997E-7 : f32
      %add3A_112 = arith.addf %cond3A_8, %add3A_111 : f32
      %mul3A = arith.constant 1.600000e+01 : f32
      %mul3A_113 = arith.mulf %mul3A, %add3A_112 : f32
      %div3A_114 = vector.broadcast %mul3A_113 : f32 to vector<16xf32>
      %div3A_115 = arith.divf %broadcast_in_dim3A_97, %div3A_114 : vector<16xf32>
      %div3A_116 = arith.constant 2.621440e+05 : f32
      %div3A_117 = vector.broadcast %div3A_116 : f32 to vector<16xf32>
      %div3A_118 = arith.divf %broadcast_in_dim3A_108, %div3A_117 : vector<16xf32>
      %mul3A_119 = arith.constant 2.000000e+00 : f32
      %mul3A_120 = vector.broadcast %mul3A_119 : f32 to vector<16xf32>
      %mul3A_121 = arith.mulf %mul3A_120, %div3A_110 : vector<16xf32>
      %mul3A_122 = arith.constant 5.000000e-01 : f32
      %mul3A_123 = vector.broadcast %mul3A_122 : f32 to vector<16xf32>
      %mul3A_124 = arith.mulf %mul3A_123, %div3A_115 : vector<16xf32>
      %add3A_125 = arith.addf %mul3A_121, %mul3A_124 : vector<16xf32>
      %mul3A_126 = arith.constant 1.500000e-01 : f32
      %mul3A_127 = vector.broadcast %mul3A_126 : f32 to vector<16xf32>
      %mul3A_128 = arith.mulf %mul3A_127, %div3A_118 : vector<16xf32>
      %add3A_129 = arith.addf %add3A_125, %mul3A_128 : vector<16xf32>
      %eq3A_130 = arith.constant 0 : i32
      %eq3A_131 = vector.broadcast %eq3A_130 : i32 to vector<16xi32>
      %eq3A_132 = arith.cmpi eq, %iota3A, %eq3A_131 : vector<16xi32>
      %eq3A_133 = arith.constant 1 : i32
      %eq3A_134 = vector.broadcast %eq3A_133 : i32 to vector<16xi32>
      %eq3A_135 = arith.cmpi eq, %iota3A, %eq3A_134 : vector<16xi32>
      %eq3A_136 = arith.constant 2 : i32
      %eq3A_137 = vector.broadcast %eq3A_136 : i32 to vector<16xi32>
      %eq3A_138 = arith.cmpi eq, %iota3A, %eq3A_137 : vector<16xi32>
      %eq3A_139 = arith.constant 3 : i32
      %eq3A_140 = vector.broadcast %eq3A_139 : i32 to vector<16xi32>
      %eq3A_141 = arith.cmpi eq, %iota3A, %eq3A_140 : vector<16xi32>
      %jit3A_142 = arith.constant 0.000000e+00 : f32
      %broadcast_in_dim3A_143 = vector.broadcast %jit3A_142 : f32 to vector<16xf32>
      %select_n3A_144 = arith.select %eq3A_141, %div3A_118, %broadcast_in_dim3A_143 : vector<16xi1>, vector<16xf32>
      %select_n3A_145 = arith.select %eq3A_138, %div3A_115, %select_n3A_144 : vector<16xi1>, vector<16xf32>
      %select_n3A_146 = arith.select %eq3A_135, %div3A_110, %select_n3A_145 : vector<16xi1>, vector<16xf32>
      %select_n3A_147 = arith.select %eq3A_132, %add3A_129, %select_n3A_146 : vector<16xi1>, vector<16xf32>
      %swap3A = arith.constant 0 : index
      %swap3A_148 = tpu.vector_load %arg13[%swap3A] {strides = array<i32>} : memref<16xf32, #tpu.memory_space<vmem>>, vector<16xf32>,
      tpu.vector_store %arg13[%swap3A], %select_n3A_147 {strides = array<i32>} : memref<16xf32, #tpu.memory_space<vmem>>, vector<16xf32>,
      "tpu.region"() ({
        %run_scoped3A = tpu.sem_alloc : memref<!tpu.dma_semaphore, #tpu.memory_space<semaphore_mem>>
        tpu.enqueue_dma source(%arg13 : memref<16xf32, #tpu.memory_space<vmem>>) target(%arg5 : memref<16xf32, #tpu.memory_space<hbm>>) target_semaphore(%run_scoped3A : memref<!tpu.dma_semaphore, #tpu.memory_space<semaphore_mem>>)
        tpu.wait_dma2 semaphore(%run_scoped3A : memref<!tpu.dma_semaphore, #tpu.memory_space<semaphore_mem>>) src(%arg13 : memref<16xf32, #tpu.memory_space<vmem>>) dst(%arg5 : memref<16xf32, #tpu.memory_space<hbm>>)
        tpu.yield
      }) : () -> ()
    } else {
    }
    return
  }
}

</mosaic_0001>

<sc_bundles>
// kernel: kernel.3.cloned.1.call-start
scs
__scs_entry_jumppad:
0x0: {  	(pc) =	sbr.rel $0x88, $3  }
0x1: {  	(tag) =	ssettag $0x0;
	lr =	simm.s32 $0x1  }
0x2: {  	[smem:$0x3F9E] =	sst lr;
	_ =	strace $0xD0000000  }
0x3: {  	_ = 	snop  }
0x4: {  	_ = 	snop  }
0x5: {  	_ = 	snop  }
0x6: {  	_ = 	snop  }
0x7: {  	_ = 	snop  }
__scs_overlays_trampoline_lowered:
0x8: {  	[smem:$0x3FAD] =	sst s0  }
0x9: {  	[smem:$0x3FAE] =	sst s1  }
0xa: {  	[smem:$0x3FAF] =	sst s2  }
0xb: {  	[smem:$0x3FB0] =	sst s3  }
0xc: {  	[smem:$0x3FB1] =	sst s4  }
0xd: {  	[smem:$0x3FB2] =	sst s5  }
0xe: {  	[smem:$0x3FB3] =	sst s6  }
0xf: {  	[smem:$0x3FB4] =	sst s7  }
0x10: {  	[smem:$0x3FB5] =	sst s8  }
0x11: {  	[smem:$0x3FB6] =	sst s9;
	s0 =	simm.s32 @!p0 $0x0  }
0x12: {  	s1 =	sld [smem:$0x3F9C];
	s0 =	simm.s32 @p0 $0x1  }
0x13: {  	[smem:$0x3FB7] =	sst s0;
	s0 =	simm.s32 @!p1 $0x0  }
0x14: {  	s2 =	sld [smem:$0x3F9B];
	s0 =	simm.s32 @p1 $0x1  }
0x15: {  	[smem:$0x3FB8] =	sst s0;
	s0 =	simm.s32 @!p2 $0x0  }
0x16: {  	s3 =	sld [smem:$0x3FDB];
	s0 =	simm.s32 @p2 $0x1  }
0x17: {  	s4 =	simm.s32 $0x1BF5;
	[smem:$0x3FBA] =	sst s0  }
0x18: {  	s0 =	sld [smem:$0x3F9D];
	_ =	swait.ge [sflag:s4], $0x0  }
0x19: {  	s7 =	sld [smem:$0x3F9E]  }
0x1a: {  	s8 =	sadd.s32 $0xFFFFE003, lr  }
0x1b: {  	s9 =	sadd.s32 $0xFFFFFEF7, lr;
	s5 =	simm.s32 $0xFFFFFFFF;
	p2 =	slt.u32 s8, $0xFFFFF086  }
0x1c: {  	p1 =	slt.u32 s9, $0xF7A;
	s5 =	simm.s32 @!p2 $0x0  }
0x1d: {  	s5 =	simm.s32 @p1 $0x1;
	p0 =	seq.s32 s7, s2  }
0x1e: {  	s7 =	smul.u32 @!p0 $0xF7A, s2;
	p2 =	seq.s32 @!p0 s5, $0x0  }
0x1f: {  	s9 =	smul.u32 $0xF7A, s1;
	s8 =	simm.s32 @!p0 $0x1BF5;
	p2 =	por !p2, p0  }
0x20: {  	[sflag:s8] =	ssyncset.s32 @!p0 $0xFFFFF086;
	s6 =	sadd.s32 @!p0 s3, s7;
	s7 =	simm.s32 @!p0 $0x108  }
0x21: {  	s3 =	sadd.s32 s3, s9;
	s6 =	sadd.s32 @!p0 $0x88, s6;
	s7 =	simm.s32 @p2 $0x1082  }
0x22: {  	[simem:s7], [sflag:s8] =	dma.local @!p0 [hbm:s6], $0xF7A  }
0x23: {  	s9 =	sor.u32 $0xD0000000, s2;
	s6 =	simm.s32 $0x108;
	_ =	swait.ge @!p0 [sflag:s8], $0x0  }
0x24: {  	s3 =	sadd.s32 $0x88, s3;
	s6 =	simm.s32 @!p1 $0x1082;
	[sflag:s4] =	ssyncset.s32 $0xFFFFF086  }
0x25: {  	[simem:s6], [sflag:s4] =	dma.local [hbm:s3], $0xF7A  }
0x26: {  	[smem:$0x3F9E] =	sst s1;
	(tag) =	ssettag s2;
	_ =	strace s9  }
0x27: {  	s1 =	sld [smem:$0x3FAE]  }
0x28: {  	s2 =	sld [smem:$0x3FAF]  }
0x29: {  	s4 =	sld [smem:$0x3FB1]  }
0x2a: {  	p0 =	seq.s32 s5, $0x0;
	s5 =	sld [smem:$0x3FB2]  }
0x2b: {  	s6 =	sld [smem:$0x3FB3]  }
0x2c: {  	s7 =	sld [smem:$0x3FB4]  }
0x2d: {  	s3 =	simm.s32 $0x108;
	s8 =	sld [smem:$0x3FB5]  }
0x2e: {  	s3 =	simm.s32 @!p0 $0x1082;
	s9 =	sld [smem:$0x3FB6]  }
0x2f: {  	lr =	sadd.s32 s0, s3;
	s0 =	sld [smem:$0x3FAD]  }
0x30: {  	s3 =	sld [smem:$0x3FB0]  }
0x31: {  	[smem:$0x3FB9] =	sst s10  }
0x32: {  	s10 =	sld [smem:$0x3FB7];
	_ =	sdelay $0x3  }
0x33: {  	p0 =	seq.s32 s10, $0x1;
	s10 =	sld [smem:$0x3FB9];
	_ =	sdelay $0x3  }
0x34: {  	[smem:$0x3FB9] =	sst s10  }
0x35: {  	s10 =	sld [smem:$0x3FB8];
	_ =	sdelay $0x3  }
0x36: {  	p1 =	seq.s32 s10, $0x1;
	s10 =	sld [smem:$0x3FB9];
	_ =	sdelay $0x3  }
0x37: {  	[smem:$0x3FB9] =	sst s10  }
0x38: {  	s10 =	sld [smem:$0x3FBA]  }
0x39: {  	_ = 	snop;
	(pc) =	sbr.ind lr, $3  }
0x3a: {  	_ = 	snop  }
0x3b: {  	_ = 	snop  }
0x3c: {  	p2 =	seq.s32 s10, $0x1;
	s10 =	sld [smem:$0x3FB9]  }
0x3d: {  	_ =	shalt  }
0x3e: {  	_ =	shalt  }
0x3f: {  	_ =	shalt  }
0x40: {  	_ =	shalt  }
0x41: {  	_ =	shalt  }
0x42: {  	_ =	shalt  }
0x43: {  	_ =	shalt  }
0x44: {  	_ =	shalt  }
0x45: {  	_ =	shalt  }
0x46: {  	_ =	shalt  }
0x47: {  	_ =	shalt  }
0x48: {  	_ =	shalt  }
0x49: {  	_ =	shalt  }
0x4a: {  	_ =	shalt  }
0x4b: {  	_ =	shalt  }
0x4c: {  	_ =	shalt  }
0x4d: {  	_ =	shalt  }
0x4e: {  	_ =	shalt  }
0x4f: {  	_ =	shalt  }
0x50: {  	_ =	shalt  }
0x51: {  	_ =	shalt  }
0x52: {  	_ =	shalt  }
0x53: {  	_ =	shalt  }
0x54: {  	_ =	shalt  }
0x55: {  	_ =	shalt  }
0x56: {  	_ =	shalt  }
0x57: {  	_ =	shalt  }
0x58: {  	_ =	shalt  }
0x59: {  	_ =	shalt  }
0x5a: {  	_ =	shalt  }
0x5b: {  	_ =	shalt  }
0x5c: {  	_ =	shalt  }
0x5d: {  	_ =	shalt  }
0x5e: {  	_ =	shalt  }
0x5f: {  	_ =	shalt  }
0x60: {  	_ =	shalt  }
0x61: {  	_ =	shalt  }
0x62: {  	_ =	shalt  }
0x63: {  	_ =	shalt  }
0x64: {  	_ =	shalt  }
0x65: {  	_ =	shalt  }
0x66: {  	_ =	shalt  }
0x67: {  	_ =	shalt  }
0x68: {  	_ =	shalt  }
0x69: {  	_ =	shalt  }
0x6a: {  	_ =	shalt  }
0x6b: {  	_ =	shalt  }
0x6c: {  	_ =	shalt  }
0x6d: {  	_ =	shalt  }
0x6e: {  	_ =	shalt  }
0x6f: {  	_ =	shalt  }
0x70: {  	_ =	shalt  }
0x71: {  	_ =	shalt  }
0x72: {  	_ =	shalt  }
0x73: {  	_ =	shalt  }
0x74: {  	_ =	shalt  }
0x75: {  	_ =	shalt  }
0x76: {  	_ =	shalt  }
0x77: {  	_ =	shalt  }
0x78: {  	_ =	shalt  }
0x79: {  	_ =	shalt  }
0x7a: {  	_ =	shalt  }
0x7b: {  	_ =	shalt  }
0x7c: {  	_ =	shalt  }
0x7d: {  	_ =	shalt  }
0x7e: {  	_ =	shalt  }
0x7f: {  	_ =	shalt  }
0x80: {  	_ =	shalt  }
0x81: {  	_ =	shalt  }
0x82: {  	_ =	shalt  }
0x83: {  	_ =	shalt  }
0x84: {  	_ =	shalt  }
0x85: {  	_ =	shalt  }
0x86: {  	_ =	shalt  }
0x87: {  	_ =	shalt  }
.Lfunc_end0:
.L_simem_size_0:
called_computation_lowered:
.L_overlay_start_0:
0x88: {  	s0 =	sld [smem:$0x3FD9]  }
0x89: {  	s1 =	sld [smem:$0x3FFE];
	_ =	sdelay $0x3  }
0x8a: {  	s0 =	sadd.s32 s1, s0  }
0x8b: {  	[smem:$0x3FC5] =	sst s0  }
0x8c: {  	_ = 	snop  }
0x8d: {  	s16 =	sld [smem:$0x3FD0];
	(tm) =	ssettm $0x1  }
0x8e: {  	s2 =	sld [smem:$0x3FFB];
	_ =	sdelay $0x3  }
0x8f: {  	_ =	strace s2  }
0x90: {  	s2 =	sld [smem:$0x3FFC];
	_ =	sdelay $0x3  }
0x91: {  	_ =	strace s2  }
0x92: {  	s2 =	sld [smem:$0x3FFD];
	_ =	sdelay $0x3  }
0x93: {  	_ =	strace s2  }
0x94: {  	_ =	strace $0x8FFFFFFF  }
0x95: {  	s17 =	sld [smem:$0x3FDB];
	_ =	sdelay $0x1  }
0x96: {  	s3 =	simm.s32 $_scs_section_size  }
0x97: {  	s4 =	simm.s32 $_size__tile_overlayer_lowered;
	s5 =	simm.s32 $_tile_overlayer_lowered  }
0x98: {  	s20 =	simm.s32 $0x1BFF;
	s19 =	sshll.u32 s5, $0x1;
	s2 =	sadd.s32 s3, s17  }
0x99: {  	s6 =	simm.s32 $0x0;
	s18 =	sshll.u32 s4, $0x1;
	s4 =	sadd.s32 s19, s2  }
0x9a: {  	[timem:s6], [sflag:s20] =	dma.local [hbm:s4], s18  }
0x9b: {  	_ =	swait.ge [sflag:s20], s18  }
0x9c: {  	s3 =	ssub.s32 $0x0, s18;
	[sflag:s20] =	ssyncset.done $0x0  }
0x9d: {  	[sflag:s20] =	ssyncadd.s32 s3;
	_ =	sdelay $0x1  }
0x9e: {  	s21 =	simm.s32 $0x1B8B  }
0x9f: {  	_ =	swait.ge [sflag:s21], $0x1  }
0xa0: {  	[sflag:s21] =	ssyncset.done $0x0  }
0xa1: {  	s23 =	simm.s32 $0x1B8E;
	s22 =	sld [smem:$0x3FFE];
	[sflag:s21] =	ssyncadd.s32 $0xFFFFFFFF  }
0xa2: {  	s24 =	simm.s32 $execute0_lowered;
	[smem:$0x3FD2] =	sst s23  }
0xa3: {  	s4 =	sshll.u32 s24, $0x1;
	_ =	strace $0x80000046;
	[dreg:$0x1] =	wrdreg $0xFFFFFFFF  }
0xa4: {  	s25 =	simm.s32 $_size_execute0_lowered;
	s2 =	sadd.s32 s2, s4;
	[dreg:$0x0] =	wrdreg $0x0  }
0xa5: {  	s4 =	sshll.u32 s25, $0x1;
	[dreg:$0x2] =	wrdreg s2  }
0xa6: {  	[dreg:$0x3] =	wrdreg s4  }
0xa7: {  	[dreg:$0x4] =	wrdreg $0xC0  }
0xa8: {  	_ =	task [dreg:s6], $0x5FFFF  }
0xa9: {  	[dreg:$0x1] =	wrdreg $0xFFFFFFFF  }
0xaa: {  	[dreg:$0x0] =	wrdreg $0x60  }
0xab: {  	[dreg:$0x2] =	wrdreg s22  }
0xac: {  	s0 =	sadd.s32 $0x400, s0;
	[dreg:$0x3] =	wrdreg s16  }
0xad: {  	[dreg:$0x4] =	wrdreg s0  }
0xae: {  	[dreg:$0x5] =	wrdreg $0x9  }
0xaf: {  	_ =	task.clear_ibuf [dreg:s6], $0x6FFFF;
	_ =	strace $0x90000046  }
0xb0: {  	s26 =	simm.s32 $0x9;
	_ =	strace $0x80000048  }
0xb1: {  	_ =	swait.ge [sflag:s26], $0x1  }
0xb2: {  	[sflag:s26] =	ssyncadd.s32 $0xFFFFFFFF  }
0xb3: {  	_ =	strace $0x90000048  }
0xb4: {  	_ =	sfence  }
0xb5: {  	s28 =	sld [smem:$0x0];
	_ =	sdelay $0x1  }
0xb6: {  	s29 =	srdreg.scid  }
0xb7: {  	s30 =	sshll.u32 s29, $0xD;
	s31 =	sshrl.u32 s29, $0x2  }
0xb8: {  	s1 =	sand.u32 $0x1, s29;
	s2 =	sand.u32 $0x4000, s30;
	s0 =	sadd.s32 s31, s28  }
0xb9: {  	s1 =	sor.u32 s2, s1;
	s0 =	sshll.u32 s0, $0x11  }
0xba: {  	s0 =	sor.u32 s0, s1  }
0xbb: {  	s0 =	sadd.s32 $0x8F2B, s0  }
0xbc: {  	[sflag:s0] =	ssyncadd.remote.s32 $0x1  }
0xbd: {  	_ =	sfence.sel $0xFFFF  }
0xbe: {  	[dreg:$0x0] =	wrdreg $0xFFFFFFFF;
	(pc) =	sbr.abs _section_cstart, $3  }
0xbf: {  	[dreg:$0x1] =	wrdreg $0xFFFFFFFF  }
0xc0: {  	_ =	task.clear_ibuf [dreg:s6], $0x2FFFF;
	_ =	strace $0x9FFFFFFF  }
0xc1: {  	(tm) =	ssettm $0x7FFFFFFF  }
tec
execute0_lowered:
.L_overlay_start_1:
0x0: {  	(tag) =	ssettag $0x1  }
0x1: {  	s5 =	rddreg [dreg:$0x0]  }
0x2: {  	s1 =	rddreg [dreg:$0x1]  }
0x3: {  	s2 =	rddreg [dreg:$0x2];
	s3 =	stileid.u32  }
0x4: {  	s0 =	rddreg [dreg:$0x3];
	s4 =	sshrl.u32 s3, $0x3;
	s6 =	sshll.u32 s3, $0x7  }
0x5: {  	s8 =	simm.s32 $0x0;
	s7 =	sshll.u32 s4, $0x11;
	s6 =	sand.u32 $0x380, s6  }
0x6: {  	s25 =	simm.s32 $0x80;
	s4 =	sshll.u32 s4, $0xF;
	s7 =	sor.u32 s6, s7  }
0x7: {  	s9 =	simm.s32 $0x400;
	s4 =	sor.u32 s6, s4;
	s24 =	sshrl.u32 s7, $0x3  }
0x8: {  	[smem:$0x7FF] =	sst s8;
	s4 =	sshrl.u32 s4, $0x3;
	s6 =	sadd.s32 s24, s5  }
0x9: {  	_ =	strace $0x80000047;
	s4 =	sadd.s32 s4, s5;
	s6 =	sadd.s32 $0x2400, s6  }
0xa: {  	[tilespmem:s8], [sflag:$0x1] =	stream.strided.gather [hbm4b:s6+s25], $0x4000, s9, s25, $0x38;
	[tilespmem:$0xA180] =	vst v63  }
0xb: {  	s26 =	sadd.s32 $0x400, s4;
	s4 =	simm.s32 $0x8000  }
0xc: {  	[tilespmem:s4], [sflag:$0x2] =	stream.strided.gather [hbm4b:s26+s25], $0x1000, s9, s25, $0x38;
	[tilespmem:$0xA180] =	vst v63  }
0xd: {  	s28 =	simm.s32 $0x9800;
	s29 =	simm.s32 $0x2;
	s5 =	sadd.s32 $0xA400, s5  }
0xe: {  	[tilespmem:s28], [sflag:$0x3] =	stream.linear.gather [hbm4b:s5+s8], $0x80, $0x38;
	[tilespmem:$0xA180] =	vst v63  }
0xf: {  	_ =	swait.ge [sflag:s29], $0x1000  }
0x10: {  	[sflag:s29] =	ssyncset.done $0x0  }
0x11: {  	s30 =	simm.s32 $0x3;
	[sflag:s29] =	ssyncadd.s32 $0xFFFFF000  }
0x12: {  	_ =	swait.ge [sflag:s30], $0x80  }
0x13: {  	[sflag:s30] =	ssyncset.done $0x0  }
0x14: {  	[sflag:s30] =	ssyncadd.s32 $0xFFFFFF80  }
0x15: {  	v1 =	vld [tilespmem:$0x9800];
	_ =	sdelay $0x4  }
0x16: {  	v0 =	vcvt.s32.f32 v1  }
0x17: {  	s5 =	simm.s32 $0x0  }
0x18: {  	s31 =	sand.u32 $0x7C0, s5;
	(erf) = vrcp.f32 v0  }
0x19: {  	v6 =	vld [tilespmem:s31+$0x8800]  }
0x1a: {  	v7 =	vld [tilespmem:s4+$0x0]  }
0x1b: {  	v8 =	vld [tilespmem:s4+$0x810]  }
0x1c: {  	v9 =	vld [tilespmem:s4+$0x820]  }
0x1d: {  	v19 =	vld [tilespmem:s4+$0x830]  }
0x1e: {  	v20 =	vld [tilespmem:s4+$0x10]  }
0x1f: {  	v4 =	vld [tilespmem:s4+$0x20]  }
0x20: {  	v3 =	vcvt.s32.f32 v7;
	v0 =	vcvt.s32.f32 v6  }
0x21: {  	v5 =	vld [tilespmem:s4+$0x30];
	v10 =	vcvt.s32.f32 v8;
	v12 =	vcvt.s32.f32 v9;
	v2 =	vpop (erf)  }
0x22: {  	v13 =	vcvt.s32.f32 v19;
	v0 =	vmul.f32 v0, v2  }
0x23: {  	v15 =	vcvt.s32.f32 v20;
	v11 =	vmul.f32 v3, v2  }
0x24: {  	v17 =	vcvt.s32.f32 v4;
	v0 =	vtrunc.f32 v0  }
0x25: {  	v11 =	vtrunc.f32 v11;
	v14 =	vcvt.f32.s32 v0  }
0x26: {  	v18 =	vcvt.s32.f32 v5;
	v11 =	vcvt.f32.s32 v11  }
0x27: {  	v3 =	vimm.s32 $0x0;
	v10 =	vmul.f32 v10, v2;
	v16 =	vmul.u32 v14, v1  }
0x28: {  	v12 =	vmul.f32 v12, v2;
	v15 =	vmul.f32 v15, v2;
	v21 =	vmul.u32 v11, v1  }
0x29: {  	v13 =	vmul.f32 v13, v2;
	v17 =	vmul.f32 v17, v2;
	vm0 =	vgt.s32 v16, v6  }
0x2a: {  	v10 =	vtrunc.f32 v10;
	vm1 =	vgt.s32 v21, v7;
	v16 =	vsel vm0, $0xFFFFFFFF, v3  }
0x2b: {  	v12 =	vtrunc.f32 v12;
	v21 =	vsel vm1, $0xFFFFFFFF, v3;
	v14 =	vadd.s32 v14, v16  }
0x2c: {  	v16 =	vmul.f32 v18, v2;
	v11 =	vadd.s32 v11, v21;
	v18 =	vadd.s32 $0x1, v14  }
0x2d: {  	v13 =	vtrunc.f32 v13;
	v21 =	vadd.s32 $0x1, v11;
	v22 =	vmul.u32 v1, v18  }
0x2e: {  	v0 =	vimm.f32 $0.0e+00;
	v10 =	vcvt.f32.s32 v10;
	v23 =	vmul.u32 v1, v21  }
0x2f: {  	vm0 =	vgt.s32 v22, v6;
	v6 =	vcvt.f32.s32 v12;
	v12 =	vcvt.f32.s32 v13  }
0x30: {  	vm1 =	vgt.s32 v23, v7;
	v13 =	vtrunc.f32 v15;
	v15 =	vtrunc.f32 v16  }
0x31: {  	v7 =	vsel vm0, v14, v18;
	v11 =	vsel vm1, v11, v21;
	v14 =	vtrunc.f32 v17  }
0x32: {  	v13 =	vcvt.f32.s32 v13;
	v15 =	vcvt.f32.s32 v15;
	vm0 =	vgt.s32 v7, $0x0  }
0x33: {  	vm1 =	vgt.s32 v11, $0x0;
	v14 =	vcvt.f32.s32 v14;
	v7 =	vnsel vm0, $0x0, v7  }
0x34: {  	v18 =	vmul.u32 v12, v1;
	v11 =	vnsel vm1, $0x0, v11;
	v7 =	vmin.u32 v7, $0x7F  }
0x35: {  	v16 =	vmul.u32 v13, v1;
	v11 =	vmin.u32 v11, $0x7F;
	v7 =	vshll.u32 v7, $0x7  }
0x36: {  	v17 =	vmul.u32 v6, v1;
	v7 =	vor.u32 v11, v7;
	v11 =	vmul.u32 v10, v1  }
0x37: {  	v59 =	vmul.u32 v15, v1;
	vm1 =	vgt.s32 v18, v19;
	vm2 =	vgt.s32 v16, v20  }
0x38: {  	v18 =	vsel vm2, $0xFFFFFFFF, v3;
	vm0 =	vgt.s32 v11, v8;
	v11 =	vmul.u32 v14, v1  }
0x39: {  	v60 =	vsel vm0, $0xFFFFFFFF, v3;
	vm0 =	vgt.s32 v17, v9;
	v17 =	vsel vm1, $0xFFFFFFFF, v3  }
0x3a: {  	vm1 =	vgt.s32 v59, v5;
	v16 =	vsel vm0, $0xFFFFFFFF, v3;
	vm0 =	vgt.s32 v11, v4  }
0x3b: {  	v61 =	vadd.s32 v10, v60;
	v62 =	vadd.s32 v12, v17;
	v12 =	vsel vm1, $0xFFFFFFFF, v3  }
0x3c: {  	s6 =	simm.s32 $0x9020;
	v10 =	vadd.s32 v13, v18;
	v6 =	vadd.s32 v6, v16;
	v16 =	vadd.s32 $0x1, v61  }
0x3d: {  	s7 =	simm.s32 $0x4000;
	[tilespmem:s6+$0xFFFFFFE0] =	vst v7;
	v11 =	vsel vm0, $0xFFFFFFFF, v3;
	v24 =	vadd.s32 $0x1, v62;
	v12 =	vadd.s32 v15, v12  }
0x3e: {  	v13 =	vadd.s32 $0x1, v10;
	[tilespmem:v7+s7+$0x0] =	vst.idx.msk $0xffff, v0;
	v63 =	vadd.s32 $0x1, v6;
	v17 =	vmul.u32 v1, v16  }
0x3f: {  	v11 =	vadd.s32 v14, v11;
	v26 =	vmul.u32 v1, v24;
	v7 =	vmul.u32 v1, v13  }
0x40: {  	v15 =	vadd.s32 $0x1, v12;
	v25 =	vmul.u32 v1, v63;
	v14 =	vadd.s32 $0x1, v11  }
0x41: {  	v18 =	vmul.u32 v1, v15;
	vm0 =	vgt.s32 v17, v8;
	v17 =	vmul.u32 v1, v14  }
0x42: {  	vm2 =	vgt.s32 v26, v19;
	v16 =	vsel vm0, v61, v16;
	vm1 =	vgt.s32 v25, v9  }
0x43: {  	vm0 =	vgt.s32 v7, v20;
	v7 =	vsel vm2, v62, v24;
	v6 =	vsel vm1, v6, v63  }
.LBB2_1:
0x44: {  	s5 =	sadd.s32 $0x40, s5;
	vm1 =	vgt.s32 v16, $0x0;
	vm2 =	vgt.s32 v17, v4;
	vm3 =	vgt.s32 v18, v5  }
0x45: {  	v4 =	vsel vm0, v10, v13;
	vm0 =	vgt.s32 v6, $0x0;
	vm4 =	vgt.s32 v7, $0x0;
	s8 =	sand.u32 $0x7C0, s5;
	p0 =	slt.u32 s5, $0x7C0  }
0x46: {  	s4 =	sadd.s32 $0x40, s4;
	v5 =	vnsel vm1, $0x0, v16;
	v9 =	vsel vm2, v11, v14;
	v11 =	vsel vm3, v12, v15;
	v10 =	vld [tilespmem:s8+$0x8800]  }
0x47: {  	vm1 =	vgt.s32 v4, $0x0;
	v8 =	vnsel vm0, $0x0, v6;
	v13 =	vnsel vm4, $0x0, v7;
	v12 =	vld [tilespmem:s4+$0x0]  }
0x48: {  	v5 =	vmin.u32 v5, $0x7F;
	vm0 =	vgt.s32 v9, $0x0;
	vm2 =	vgt.s32 v11, $0x0;
	v6 =	vld [tilespmem:s4+$0x810]  }
0x49: {  	v14 =	vnsel vm1, $0x0, v4;
	v4 =	vmin.u32 v8, $0x7F;
	v13 =	vmin.u32 v13, $0x7F;
	v7 =	vld [tilespmem:s4+$0x820]  }
0x4a: {  	v15 =	vshll.u32 v5, $0x7;
	v5 =	vnsel vm0, $0x0, v9;
	v11 =	vnsel vm2, $0x0, v11;
	v8 =	vld [tilespmem:s4+$0x830]  }
0x4b: {  	v17 =	vshll.u32 v4, $0x7;
	v13 =	vshll.u32 v13, $0x7;
	v16 =	vcvt.s32.f32 v10;
	v9 =	vld [tilespmem:s4+$0x10]  }
0x4c: {  	v14 =	vmin.u32 v14, $0x7F;
	v19 =	vmin.u32 v5, $0x7F;
	v18 =	vcvt.s32.f32 v12;
	v4 =	vld [tilespmem:s4+$0x20]  }
0x4d: {  	v11 =	vmin.u32 v11, $0x7F;
	v16 =	vmul.f32 v16, v2;
	v20 =	vcvt.s32.f32 v6;
	v5 =	vld [tilespmem:s4+$0x30]  }
0x4e: {  	v14 =	vor.u32 v14, v15;
	v18 =	vmul.f32 v18, v2;
	v21 =	vcvt.s32.f32 v7  }
0x4f: {  	v17 =	vor.u32 v19, v17;
	v15 =	vtrunc.f32 v16;
	v16 =	vcvt.s32.f32 v8;
	[tilespmem:s6+$0xFFFFFFF0] =	vst v14  }
0x50: {  	v11 =	vor.u32 v11, v13;
	v18 =	vtrunc.f32 v18;
	v15 =	vcvt.f32.s32 v15;
	[tilespmem:s6+$0x0] =	vst v17  }
0x51: {  	v13 =	vcvt.f32.s32 v18;
	v18 =	vcvt.s32.f32 v9;
	[tilespmem:s6+$0x10] =	vst v11  }
0x52: {  	v22 =	vcvt.s32.f32 v4;
	v19 =	vmul.u32 v15, v1;
	v23 =	vcvt.s32.f32 v5  }
0x53: {  	v20 =	vmul.f32 v20, v2;
	v21 =	vmul.f32 v21, v2;
	v24 =	vmul.u32 v13, v1  }
0x54: {  	v16 =	vmul.f32 v16, v2;
	v18 =	vmul.f32 v18, v2;
	vm0 =	vgt.s32 v19, v10  }
0x55: {  	v22 =	vmul.f32 v22, v2;
	vm1 =	vgt.s32 v24, v12;
	v19 =	vsel vm0, $0xFFFFFFFF, v3;
	[tilespmem:v14+s7+$0x0] =	vst.idx.msk $0xffff, v0  }
0x56: {  	v14 =	vsel vm1, $0xFFFFFFFF, v3;
	v15 =	vadd.s32 v15, v19;
	v19 =	vmul.f32 v23, v2;
	[tilespmem:v17+s7+$0x0] =	vst.idx.msk $0xffff, v0  }
0x57: {  	v17 =	vtrunc.f32 v20;
	v13 =	vadd.s32 v13, v14;
	v14 =	vadd.s32 $0x1, v15;
	[tilespmem:v11+s7+$0x0] =	vst.idx.msk $0xffff, v0  }
0x58: {  	v21 =	vtrunc.f32 v21;
	v11 =	vadd.s32 $0x1, v13;
	v20 =	vmul.u32 v1, v14  }
0x59: {  	v16 =	vtrunc.f32 v16;
	v17 =	vcvt.f32.s32 v17;
	v23 =	vmul.u32 v1, v11  }
0x5a: {  	v16 =	vcvt.f32.s32 v16;
	vm0 =	vgt.s32 v20, v10;
	v10 =	vcvt.f32.s32 v21  }
0x5b: {  	vm1 =	vgt.s32 v23, v12;
	v12 =	vsel vm0, v15, v14;
	v14 =	vtrunc.f32 v18  }
0x5c: {  	v11 =	vsel vm1, v13, v11;
	vm0 =	vgt.s32 v12, $0x0;
	v13 =	vtrunc.f32 v22  }
0x5d: {  	v15 =	vtrunc.f32 v19;
	vm1 =	vgt.s32 v11, $0x0;
	v12 =	vnsel vm0, $0x0, v12  }
0x5e: {  	v14 =	vcvt.f32.s32 v14;
	v11 =	vnsel vm1, $0x0, v11;
	v12 =	vmin.u32 v12, $0x7F  }
0x5f: {  	v13 =	vcvt.f32.s32 v13;
	v11 =	vmin.u32 v11, $0x7F;
	v12 =	vshll.u32 v12, $0x7  }
0x60: {  	v15 =	vcvt.f32.s32 v15;
	v11 =	vor.u32 v11, v12;
	v12 =	vmul.u32 v17, v1  }
0x61: {  	v20 =	vmul.u32 v16, v1;
	v19 =	vmul.u32 v10, v1;
	v18 =	vmul.u32 v14, v1  }
0x62: {  	v21 =	vmul.u32 v15, v1;
	vm0 =	vgt.s32 v12, v6;
	v12 =	vmul.u32 v13, v1  }
0x63: {  	s6 =	sadd.s32 $0x40, s6;
	vm1 =	vgt.s32 v20, v8;
	v22 =	vsel vm0, $0xFFFFFFFF, v3;
	vm0 =	vgt.s32 v19, v7  }
0x64: {  	vm2 =	vgt.s32 v18, v9;
	v19 =	vsel vm1, $0xFFFFFFFF, v3;
	[tilespmem:s6+$0xFFFFFFE0] =	vst v11;
	v18 =	vsel vm0, $0xFFFFFFFF, v3  }
0x65: {  	vm1 =	vgt.s32 v21, v5;
	vm0 =	vgt.s32 v12, v4;
	[tilespmem:v11+s7+$0x0] =	vst.idx.msk $0xffff, v0;
	v11 =	vsel vm2, $0xFFFFFFFF, v3  }
0x66: {  	v20 =	vadd.s32 v17, v22;
	v19 =	vadd.s32 v16, v19;
	v21 =	vadd.s32 v10, v18  }
0x67: {  	v17 =	vsel vm1, $0xFFFFFFFF, v3;
	v16 =	vadd.s32 $0x1, v20;
	v12 =	vsel vm0, $0xFFFFFFFF, v3  }
0x68: {  	v23 =	vadd.s32 $0x1, v19;
	v10 =	vadd.s32 v14, v11;
	v22 =	vadd.s32 $0x1, v21  }
0x69: {  	v18 =	vmul.u32 v1, v16;
	v11 =	vadd.s32 v13, v12;
	v12 =	vadd.s32 v15, v17  }
.Ltmp0:
0x6a: {  	v25 =	vmul.u32 v1, v23;
	v13 =	vadd.s32 $0x1, v10;
	v24 =	vmul.u32 v1, v22;
	(pc) =	sbr.rel @p0 .LBB2_1-.Ltmp0, $4  }
0x6b: {  	v14 =	vadd.s32 $0x1, v11;
	v15 =	vadd.s32 $0x1, v12;
	v26 =	vmul.u32 v1, v13  }
0x6c: {  	vm0 =	vgt.s32 v18, v6;
	v17 =	vmul.u32 v1, v14;
	v18 =	vmul.u32 v1, v15  }
0x6d: {  	vm2 =	vgt.s32 v25, v8;
	v16 =	vsel vm0, v20, v16;
	vm1 =	vgt.s32 v24, v7  }
0x6e: {  	v7 =	vsel vm2, v19, v23;
	vm0 =	vgt.s32 v26, v9;
	v6 =	vsel vm1, v21, v22  }
0x6f: {  	vm1 =	vgt.s32 v16, $0x0  }
0x70: {  	vm2 =	vgt.s32 v17, v4;
	vm3 =	vgt.s32 v18, v5;
	v1 =	vsel vm0, v10, v13  }
0x71: {  	vm12 =	vgt.s32 v6, $0x0;
	vm4 =	vgt.s32 v7, $0x0;
	v2 =	vnsel vm1, $0x0, v16  }
0x72: {  	v3 =	vsel vm2, v11, v14;
	v4 =	vsel vm3, v12, v15;
	vm13 =	vgt.s32 v1, $0x0  }
0x73: {  	v5 =	vnsel vm12, $0x0, v6;
	v63 =	vnsel vm4, $0x0, v7;
	v2 =	vmin.u32 v2, $0x7F  }
0x74: {  	vm14 =	vgt.s32 v3, $0x0;
	vm15 =	vgt.s32 v4, $0x0;
	v1 =	vnsel vm13, $0x0, v1  }
0x75: {  	v5 =	vmin.u32 v5, $0x7F;
	v6 =	vmin.u32 v63, $0x7F;
	v2 =	vshll.u32 v2, $0x7  }
0x76: {  	v3 =	vnsel vm14, $0x0, v3;
	v4 =	vnsel vm15, $0x0, v4;
	v1 =	vmin.u32 v1, $0x7F  }
0x77: {  	v5 =	vshll.u32 v5, $0x7;
	v3 =	vmin.u32 v3, $0x7F;
	v1 =	vor.u32 v1, v2  }
0x78: {  	v2 =	vshll.u32 v6, $0x7;
	v4 =	vmin.u32 v4, $0x7F;
	v3 =	vor.u32 v3, v5  }
0x79: {  	[tilespmem:s6+$0xFFFFFFF0] =	vst v1;
	v2 =	vor.u32 v4, v2  }
0x7a: {  	[tilespmem:s6+$0x0] =	vst v3  }
0x7b: {  	[tilespmem:s6+$0x10] =	vst v2  }
0x7c: {  	[tilespmem:v1+s7+$0x0] =	vst.idx.msk $0xffff, v0  }
0x7d: {  	[tilespmem:v3+s7+$0x0] =	vst.idx.msk $0xffff, v0  }
0x7e: {  	s5 =	simm.s32 $0x9020;
	[tilespmem:v2+s7+$0x0] =	vst.idx.msk $0xffff, v0  }
0x7f: {  	v4 =	vld [tilespmem:s5+$0x10];
	_ =	sdelay $0x4  }
0x80: {  	v3 =	vld [tilespmem:s5+$0xFFFFFFE0]  }
0x81: {  	v1 =	vld [tilespmem:s5+$0xFFFFFFF0]  }
0x82: {  	s4 =	simm.s32 $0x4000;
	v0 =	vimm.f32 $1.000000000e+00;
	v2 =	vld [tilespmem:s5+$0x0]  }
0x83: {  	s6 =	simm.s32 $0x9060;
	s5 =	simm.s32 $0x0;
	[tilespmem:v4+s4+$0x0] =	vst.idx.add.f32.msk $0xffff, v0  }
.LBB2_3:
0x84: {  	v4 =	vld [tilespmem:s6+$0x10];
	s5 =	sadd.s32 $0x40, s5  }
0x85: {  	v5 =	vld [tilespmem:s6+$0xFFFFFFF0];
	p0 =	slt.u32 s5, $0x7C0  }
0x86: {  	v6 =	vld [tilespmem:s6+$0x0]  }
0x87: {  	v7 =	vld [tilespmem:s6+$0xFFFFFFE0]  }
.Ltmp1:
0x88: {  	[tilespmem:v3+s4+$0x0] =	vst.idx.add.f32.msk $0xffff, v0;
	(pc) =	sbr.rel @p0 .LBB2_3-.Ltmp1, $4  }
0x89: {  	[tilespmem:v1+s4+$0x0] =	vst.idx.add.f32.msk $0xffff, v0  }
0x8a: {  	[tilespmem:v2+s4+$0x0] =	vst.idx.add.f32.msk $0xffff, v0;
	v1 =	vmov v5  }
0x8b: {  	v2 =	vmov v6  }
0x8c: {  	s6 =	sadd.s32 $0x40, s6;
	[tilespmem:v4+s4+$0x0] =	vst.idx.add.f32.msk $0xffff, v0;
	v3 =	vmov v7  }
0x8d: {  	_ =	sdelay $0x3  }
0x8e: {  	[tilespmem:v3+s4+$0x0] =	vst.idx.add.f32.msk $0xffff, v0  }
0x8f: {  	[tilespmem:v1+s4+$0x0] =	vst.idx.add.f32.msk $0xffff, v0  }
0x90: {  	[tilespmem:v2+s4+$0x0] =	vst.idx.add.f32.msk $0xffff, v0;
	s31 =	simm.s32 $0x1  }
0x91: {  	_ =	swait.ge [sflag:s31], $0x4000  }
0x92: {  	[sflag:s31] =	ssyncset.done $0x0  }
0x93: {  	s5 =	simm.s32 $0x40;
	[sflag:s31] =	ssyncadd.s32 $0xFFFFC000  }
0x94: {  	v0 =	vld [tilespmem:s5+$0xFFFFFFC0];
	_ =	sdelay $0x1  }
0x95: {  	v1 =	vld [tilespmem:s5+$0xFFFFFFD0];
	_ =	sdelay $0x1  }
0x96: {  	v2 =	vld [tilespmem:s5+$0xFFFFFFE0]  }
0x97: {  	v3 =	vmul.f32 v0, v0  }
0x98: {  	v4 =	vimm.f32 $0.0e+00;
	v5 =	vld [tilespmem:s5+$0xFFFFFFF0]  }
0x99: {  	v0 =	vadd.f32 v0, v4;
	v3 =	vadd.f32 v3, v4;
	v4 =	vmul.f32 v1, v1  }
0x9a: {  	v6 =	vld [tilespmem:s5+$0x0]  }
0x9b: {  	v0 =	vadd.f32 v1, v0;
	v1 =	vadd.f32 v4, v3;
	v4 =	vmul.f32 v2, v2  }
0x9c: {  	v3 =	vld [tilespmem:s5+$0x10]  }
0x9d: {  	v0 =	vadd.f32 v2, v0;
	v2 =	vmul.f32 v5, v5;
	v1 =	vadd.f32 v4, v1  }
0x9e: {  	v4 =	vld [tilespmem:s5+$0x20]  }
0x9f: {  	v0 =	vadd.f32 v5, v0;
	v5 =	vmul.f32 v6, v6;
	v2 =	vadd.f32 v2, v1  }
0xa0: {  	v1 =	vld [tilespmem:s5+$0x30]  }
0xa1: {  	s4 =	simm.s32 $0x0;
	v6 =	vadd.f32 v6, v0;
	s5 =	simm.s32 $0xC0;
	v7 =	vmul.f32 v3, v3;
	v5 =	vadd.f32 v5, v2  }
.LBB2_5:
0xa2: {  	v0 =	vld [tilespmem:s5+$0xFFFFFFC0];
	s4 =	sadd.s32 $0x80, s4  }
0xa3: {  	p0 =	slt.u32 s4, $0x3F80;
	v2 =	vadd.f32 v3, v6;
	v3 =	vadd.f32 v7, v5;
	v5 =	vmul.f32 v4, v4  }
0xa4: {  	v6 =	vld [tilespmem:s5+$0xFFFFFFD0]  }
0xa5: {  	v2 =	vadd.f32 v4, v2;
	v3 =	vadd.f32 v5, v3;
	v4 =	vmul.f32 v1, v1  }
0xa6: {  	v5 =	vld [tilespmem:s5+$0xFFFFFFE0]  }
0xa7: {  	v7 =	vmul.f32 v0, v0;
	v1 =	vadd.f32 v1, v2;
	v2 =	vadd.f32 v4, v3  }
0xa8: {  	v8 =	vld [tilespmem:s5+$0xFFFFFFF0]  }
0xa9: {  	v0 =	vadd.f32 v0, v1;
	v1 =	vadd.f32 v7, v2;
	v2 =	vmul.f32 v6, v6  }
0xaa: {  	v7 =	vld [tilespmem:s5+$0x0]  }
0xab: {  	v0 =	vadd.f32 v6, v0;
	v1 =	vadd.f32 v2, v1;
	v2 =	vmul.f32 v5, v5  }
0xac: {  	v3 =	vld [tilespmem:s5+$0x10]  }
.Ltmp2:
0xad: {  	v0 =	vadd.f32 v5, v0;
	v1 =	vadd.f32 v2, v1;
	v2 =	vmul.f32 v8, v8;
	(pc) =	sbr.rel @p0 .LBB2_5-.Ltmp2, $4  }
0xae: {  	v4 =	vld [tilespmem:s5+$0x20]  }
0xaf: {  	v0 =	vadd.f32 v8, v0;
	v2 =	vadd.f32 v2, v1;
	v5 =	vmul.f32 v7, v7  }
0xb0: {  	v1 =	vld [tilespmem:s5+$0x30]  }
0xb1: {  	s5 =	sadd.s32 $0x80, s5;
	v6 =	vadd.f32 v7, v0;
	v5 =	vadd.f32 v5, v2;
	v7 =	vmul.f32 v3, v3  }
0xb2: {  	s4 =	simm.s32 $0x9020  }
0xb3: {  	v8 =	vld [tilespmem:s4+$0xFFFFFFE0];
	_ =	sdelay $0x1  }
0xb4: {  	v9 =	vld [tilespmem:s4+$0xFFFFFFF0];
	_ =	sdelay $0x1  }
0xb5: {  	v10 =	vld [tilespmem:s4+$0x0]  }
0xb6: {  	s7 =	simm.s32 $0x9060;
	v11 =	vld [tilespmem:s4+$0x10]  }
0xb7: {  	v0 =	vld [tilespmem:s7+$0xFFFFFFF0]  }
0xb8: {  	s5 =	simm.s32 $0x0;
	v2 =	vld [tilespmem:s7+$0xFFFFFFE0]  }
0xb9: {  	s4 =	simm.s32 $0x4000;
	v12 =	vld.idx.msk [tilespmem:v8+s5+$0x0], $0xffff  }
0xba: {  	v13 =	vld.idx.msk [tilespmem:v8+s4+$0x0], $0xffff  }
0xbb: {  	v14 =	vld.idx.msk [tilespmem:v9+s5+$0x0], $0xffff  }
0xbc: {  	v3 =	vadd.f32 v3, v6;
	v15 =	vld.idx.msk [tilespmem:v9+s4+$0x0], $0xffff  }
0xbd: {  	v5 =	vadd.f32 v7, v5;
	v8 =	vmul.f32 v4, v4;
	v6 =	vld.idx.msk [tilespmem:v10+s5+$0x0], $0xffff  }
0xbe: {  	v3 =	vadd.f32 v4, v3;
	v7 =	vld.idx.msk [tilespmem:v10+s4+$0x0], $0xffff  }
0xbf: {  	v10 =	vmul.f32 v1, v1;
	v4 =	vimm.f32 $0.0e+00;
	v9 =	vld.idx.msk [tilespmem:v11+s4+$0x0], $0xffff;
	v5 =	vadd.f32 v8, v5  }
0xc0: {  	v8 =	vld.idx.msk [tilespmem:v11+s5+$0x0], $0xffff;
	v12 =	vadd.f32 v12, v4;
	v13 =	vadd.f32 v13, v4  }
0xc1: {  	v4 =	vadd.f32 v1, v3;
	v1 =	vadd.f32 v10, v5;
	v5 =	vld [tilespmem:s7+$0x0]  }
0xc2: {  	s6 =	simm.s32 $0x40;
	v3 =	vld [tilespmem:s7+$0x10];
	s7 =	simm.s32 $0x90A0;
	v11 =	vadd.f32 v14, v12;
	v10 =	vadd.f32 v15, v13  }
.LBB2_7:
0xc3: {  	v12 =	vld [tilespmem:s7+$0xFFFFFFF0]  }
0xc4: {  	v13 =	vld [tilespmem:s7+$0xFFFFFFE0];
	v6 =	vadd.f32 v6, v11;
	v7 =	vadd.f32 v7, v10  }
0xc5: {  	v10 =	vld.idx.msk [tilespmem:v2+s5+$0x0], $0xffff  }
0xc6: {  	v11 =	vld.idx.msk [tilespmem:v2+s4+$0x0], $0xffff;
	v14 =	vadd.f32 v8, v6;
	v9 =	vadd.f32 v9, v7  }
0xc7: {  	v15 =	vld.idx.msk [tilespmem:v0+s5+$0x0], $0xffff  }
0xc8: {  	s6 =	sadd.s32 $0x40, s6;
	v16 =	vld.idx.msk [tilespmem:v0+s4+$0x0], $0xffff;
	v0 =	vmov v12  }
0xc9: {  	p0 =	slt.u32 s6, $0x7C0;
	v6 =	vld.idx.msk [tilespmem:v5+s5+$0x0], $0xffff;
	v2 =	vmov v13  }
.Ltmp3:
0xca: {  	v7 =	vld.idx.msk [tilespmem:v5+s4+$0x0], $0xffff;
	(pc) =	sbr.rel @p0 .LBB2_7-.Ltmp3, $4  }
0xcb: {  	v8 =	vld.idx.msk [tilespmem:v3+s5+$0x0], $0xffff  }
0xcc: {  	v10 =	vadd.f32 v10, v14;
	v12 =	vadd.f32 v11, v9;
	v9 =	vld.idx.msk [tilespmem:v3+s4+$0x0], $0xffff  }
0xcd: {  	v5 =	vld [tilespmem:s7+$0x0]  }
0xce: {  	v11 =	vadd.f32 v15, v10;
	v10 =	vadd.f32 v16, v12;
	v3 =	vld [tilespmem:s7+$0x10];
	s7 =	sadd.s32 $0x40, s7  }
0xcf: {  	_ =	sdelay $0x1  }
0xd0: {  	(xrf2) =	vadd.scan.msk.f32 $0xffff, v4;
	_ =	sdelay $0x1  }
0xd1: {  	v44 =	vld.idx.msk [tilespmem:v2+s5+$0x0], $0xffff  }
0xd2: {  	v45 =	vld.idx.msk [tilespmem:v2+s4+$0x0], $0xffff;
	v6 =	vadd.f32 v6, v11  }
0xd3: {  	v46 =	vld.idx.msk [tilespmem:v0+s5+$0x0], $0xffff;
	v7 =	vadd.f32 v7, v10  }
0xd4: {  	v47 =	vld.idx.msk [tilespmem:v0+s4+$0x0], $0xffff;
	v6 =	vadd.f32 v8, v6  }
0xd5: {  	v48 =	vld.idx.msk [tilespmem:v5+s5+$0x0], $0xffff;
	v7 =	vadd.f32 v9, v7  }
0xd6: {  	v49 =	vld.idx.msk [tilespmem:v5+s4+$0x0], $0xffff;
	v4 =	vadd.f32 v44, v6  }
0xd7: {  	v50 =	vld.idx.msk [tilespmem:v3+s5+$0x0], $0xffff;
	v2 =	vadd.f32 v45, v7  }
0xd8: {  	v4 =	vadd.f32 v46, v4  }
0xd9: {  	v52 =	vld.idx.msk [tilespmem:v3+s4+$0x0], $0xffff;
	v0 =	vadd.f32 v47, v2;
	v51, _, _ =	vpop (xrf2)  }
0xda: {  	v53 =	vadd.f32 v48, v4;
	v7 =	vbroadcast v51, $0xF  }
0xdb: {  	v0 =	vadd.f32 v49, v0  }
0xdc: {  	(xrf2) =	vadd.scan.msk.f32 $0xffff, v1;
	v2 =	vadd.f32 v50, v53;
	v54 =	vadd.f32 $9.999999970e-07, v7;
	_ =	sdelay $0x1  }
0xdd: {  	v0 =	vadd.f32 v52, v0;
	(xrf2) =	vadd.scan.msk.f32 $0xffff, v2;
	(erf) = vrcp.f32 v54;
	_ =	sdelay $0x1  }
0xde: {  	(xrf2) =	vadd.scan.msk.f32 $0xffff, v0;
	_ =	sdelay $0x5  }
0xdf: {  	v1, _, _ =	vpop (xrf2)  }
0xe0: {  	v55 =	vpop (erf)  }
0xe1: {  	v57, _, _ =	vpop (xrf2);
	v56 =	vmul.f32 $-2.000000000e+00, v55  }
0xe2: {  	v1 =	vbroadcast v1, $0xF;
	v3 =	vbroadcast v57, $0xF  }
0xe3: {  	v58, _, _ =	vpop (xrf2);
	v0 =	vmul.f32 v55, v55;
	v2 =	vmul.f32 $4.882812500e-04, v56  }
0xe4: {  	v60 =	vmul.f32 $2.384185790e-07, v58  }
0xe5: {  	v0 =	vmul.f32 v0, v1;
	v59 =	vmul.f32 v3, v2;
	_ =	sdelay $0x1  }
0xe6: {  	v61 =	vbroadcast v60, $0xF;
	v0 =	vadd.f32 v59, v0;
	_ =	sdelay $0x1  }
0xe7: {  	v62 =	vadd.f32 $-2.048000000e+03, v7;
	v0 =	vadd.f32 v61, v0  }
0xe8: {  	vm0 =	vcmask $0x3F08  }
0xe9: {  	vm1 =	vmmov $0x1;
	v63 =	vand.u32 $0x7FFFFFFF, v62;
	v0 =	vsel vm0, $0x0, v0  }
0xea: {  	s30 =	sshll.u32 s3, $0x4;
	s6 =	simm.s32 $0x9880;
	v0 =	vsel vm1, v63, v0  }
0xeb: {  	s31 =	sadd.s32 s30, s2;
	s4 =	simm.s32 $0x0;
	s5 =	simm.s32 $0x4;
	[tilespmem:$0x9880] =	vst v0  }
0xec: {  	[hbm4b:s31+s4] =	stream.linear.scatter [tilespmem:s6], [sflag:$0x4], $0x80, $0x38;
	[tilespmem:$0xA180] =	vst v63  }
0xed: {  	_ =	swait.ge [sflag:s5], $0x80  }
0xee: {  	[sflag:s5] =	ssyncset.done $0x0  }
0xef: {  	[sflag:s5] =	ssyncadd.s32 $0xFFFFFF80  }
0xf0: {  	p0 =	sne.s32 s3, $0x0;
	[bflag:$0x0] =	sbarrier.arrive $0xFFFF  }
0xf1: {  	_ =	sfence.sel @p0 $0x180000  }
0xf2: {  	[bflag:$0x0] =	sbarrier.arrive @p0 $0xFFFF  }
0xf3: {  	_ =	strace @p0 $0x90000047  }
0xf4: {  	[bflag:$0x2] =	sbarrier.arrive @p0 $0xFFFF  }
0xf5: {  	_ =	shalt @p0  }
.LBB2_9:
0xf6: {  	v0 =	vimm.f32 $2.621440000e+05  }
0xf7: {  	v43 =	vimm.f32 $3.276800000e+04;
	(erf) = vrcp.f32 v0  }
0xf8: {  	v44 =	vimm.f32 $1.600000000e+01;
	(erf) = vrcp.f32 v43  }
0xf9: {  	(erf) = vrcp.f32 v44;
	_ =	sdelay $0x6  }
0xfa: {  	v45 =	vpop (erf)  }
0xfb: {  	s3 =	simm.s32 $0x9900;
	v1 =	vpop (erf)  }
0xfc: {  	[tilespmem:s3], [sflag:$0x4] =	stream.linear.gather [hbm4b:s2+s4], $0x800, $0x38;
	v2 =	vpop (erf);
	[tilespmem:$0xA180] =	vst v63  }
0xfd: {  	_ =	swait.ge [sflag:s5], $0x800  }
0xfe: {  	[sflag:s5] =	ssyncset.done $0x0  }
0xff: {  	[sflag:s5] =	ssyncadd.s32 $0xFFFFF800  }
0x100: {  	v3 =	vld [tilespmem:$0x9900];
	_ =	sdelay $0x1  }
0x101: {  	v4 =	vld [tilespmem:$0x9980];
	_ =	sdelay $0x1  }
0x102: {  	v5 =	vld [tilespmem:$0x9A00]  }
0x103: {  	v3 =	vadd.f32 $0.0e+00, v3  }
0x104: {  	v6 =	vld [tilespmem:$0x9A80]  }
0x105: {  	v3 =	vadd.f32 v4, v3  }
0x106: {  	v46 =	vld [tilespmem:$0x9B00]  }
0x107: {  	v3 =	vadd.f32 v5, v3  }
0x108: {  	v47 =	vld [tilespmem:$0x9B80]  }
0x109: {  	v3 =	vadd.f32 v6, v3  }
0x10a: {  	v48 =	vld [tilespmem:$0x9C00]  }
0x10b: {  	v3 =	vadd.f32 v46, v3  }
0x10c: {  	v49 =	vld [tilespmem:$0x9C80]  }
0x10d: {  	v3 =	vadd.f32 v47, v3  }
0x10e: {  	v50 =	vld [tilespmem:$0x9D00]  }
0x10f: {  	v3 =	vadd.f32 v48, v3  }
0x110: {  	v51 =	vld [tilespmem:$0x9D80]  }
0x111: {  	v3 =	vadd.f32 v49, v3  }
0x112: {  	v52 =	vld [tilespmem:$0x9E00]  }
0x113: {  	v3 =	vadd.f32 v50, v3  }
0x114: {  	v53 =	vld [tilespmem:$0x9E80]  }
0x115: {  	v3 =	vadd.f32 v51, v3  }
0x116: {  	v54 =	vld [tilespmem:$0x9F00]  }
0x117: {  	v3 =	vadd.f32 v52, v3  }
0x118: {  	v55 =	vld [tilespmem:$0x9F80]  }
0x119: {  	v3 =	vadd.f32 v53, v3  }
0x11a: {  	v56 =	vld [tilespmem:$0xA000]  }
0x11b: {  	v3 =	vadd.f32 v54, v3  }
0x11c: {  	v57 =	vld [tilespmem:$0xA080]  }
0x11d: {  	v3 =	vadd.f32 v55, v3;
	_ =	sdelay $0x1  }
0x11e: {  	v3 =	vadd.f32 v56, v3;
	_ =	sdelay $0x1  }
0x11f: {  	v3 =	vadd.f32 v57, v3;
	_ =	sdelay $0x1  }
0x120: {  	vm2 =	vcmask $0x308;
	v58 =	vnsel vm1, $0x0, v3  }
0x121: {  	v3 =	vsel vm2, $0x0, v3;
	(xrf2) =	vadd.scan.msk.f32 $0xffff, v58  }
0x122: {  	(xrf2) =	vadd.scan.msk.f32 $0xffff, v3;
	_ =	sdelay $0x8  }
0x123: {  	v59, _, _ =	vpop (xrf2)  }
0x124: {  	v3 =	vbroadcast v59, $0xF;
	v60, _, _ =	vpop (xrf2)  }
0x125: {  	v4 =	vbroadcast v60, $0xF  }
0x126: {  	v2 =	vmul.f32 v3, v2;
	v1 =	vmul.f32 v3, v1;
	_ =	sdelay $0x1  }
0x127: {  	v0 =	vmul.f32 v4, v45;
	v61 =	vadd.f32 v2, v2;
	v62 =	vmul.f32 $5.000000000e-01, v1;
	_ =	sdelay $0x1  }
0x128: {  	vm14 =	vcmask $0x3F10;
	v63 =	vmul.f32 $1.500000060e-01, v0;
	v3 =	vadd.f32 v62, v61  }
0x129: {  	vm15 =	vcmask $0x3F0C;
	v0 =	vsel vm14, $0x0, v0  }
0x12a: {  	v0 =	vsel vm15, v0, v1;
	v3 =	vadd.f32 v3, v63  }
0x12b: {  	v0 =	vsel vm0, v0, v2  }
0x12c: {  	v0 =	vsel vm1, v3, v0  }
0x12d: {  	s31 =	simm.s32 $0xA100;
	[tilespmem:$0xA100] =	vst v0  }
0x12e: {  	[hbm4b:s1+s4] =	stream.linear.scatter [tilespmem:s31], [sflag:$0x4], $0x80, $0x38;
	[tilespmem:$0xA180] =	vst v63  }
0x12f: {  	_ =	swait.ge [sflag:s5], $0x80  }
0x130: {  	[sflag:s5] =	ssyncset.done $0x0  }
0x131: {  	[sflag:s5] =	ssyncadd.s32 $0xFFFFFF80  }
0x132: {  	_ =	sfence.sel $0x180000  }
0x133: {  	[bflag:$0x0] =	sbarrier.arrive $0xFFFF  }
0x134: {  	_ =	strace $0x90000047  }
0x135: {  	s0 =	sadd.s32 $0x100000, s0;
	[bflag:$0x2] =	sbarrier.arrive $0xFFFF  }
0x136: {  	[sflag:s0] =	ssyncadd.tile.s32 $0x1;
	_ =	shalt  }
.Lfunc_end2:
_tile_overlayer_lowered:
.L_overlay_start_2:
0x137: {  	(tag) =	ssettag $0x2  }
0x138: {  	s0 =	rddreg [dreg:$0x0];
	s2 =	stileid.u32  }
0x139: {  	s1 =	rddreg [dreg:$0x1];
	p0 =	sne.s32 s2, $0x0  }
0x13a: {  	s3 =	rddreg [dreg:$0x2];
	[bflag:$0x3] =	sbarrier.arrive $0xFFFF;
	s2 =	simm.s32 @!p0 $0x1C04  }
0x13b: {  	[timem:s3], [sflag:s2] =	dma.local @!p0 [hbm:s0], s1  }
0x13c: {  	s0 =	simm.s32 @!p0 $0x4  }
0x13d: {  	_ =	swait.ge @!p0 [sflag:s0], s1  }
0x13e: {  	s1 =	ssub.s32 @!p0 $0x0, s1;
	[sflag:s0] =	ssyncset.done @!p0 $0x0  }
0x13f: {  	[sflag:s0] =	ssyncadd.s32 @!p0 s1  }
0x140: {  	[bflag:$0x3] =	sbarrier.arrive $0xFFFF  }
0x141: {  	_ =	shalt  }

</sc_bundles>
